<compile_context>
chip_gen: v7x
topology: tpu7x:2x2x1
jax: 0.10.2.dev20260603
libtpu: 0.0.44.dev20260713+nightly
codegen_flags: <defaults>
</compile_context>

<pallas_src>
import functools

import jax
import jax.numpy as jnp
from jax import lax
from jax.experimental import pallas as pl
from jax.experimental.pallas import tpu as pltpu
from jax.experimental.pallas import tpu_sc as plsc

_M_TOTAL = 16384
_D = 256
_NUM_CORES = 2
_NUM_SUBCORES = 16
_NW = _NUM_CORES * _NUM_SUBCORES
_ROWS_PER_W = _M_TOTAL // _NW
_CHUNK = 128


def _sc_gather(table, idx):
    mesh = plsc.VectorSubcoreMesh(core_axis_name="c", subcore_axis_name="s")

    @functools.partial(
        pl.kernel,
        out_type=jax.ShapeDtypeStruct((_M_TOTAL, _D), jnp.float32),
        mesh=mesh,
        scratch_types=[
            pltpu.VMEM((_CHUNK,), jnp.int32),
            pltpu.VMEM((_CHUNK, _D), jnp.float32),
            pltpu.SemaphoreType.DMA,
            pltpu.VMEM((_CHUNK,), jnp.int32),
            pltpu.VMEM((_CHUNK, _D), jnp.float32),
            pltpu.SemaphoreType.DMA,
        ],
    )
    def gather_kernel(table_hbm, idx_hbm, out_hbm,
                      idx_v0, rows_v0, sem0, idx_v1, rows_v1, sem1):
        wid = lax.axis_index("s") * _NUM_CORES + lax.axis_index("c")
        base = wid * _ROWS_PER_W
        nchunk = _ROWS_PER_W // _CHUNK
        bufs = ((idx_v0, rows_v0, sem0), (idx_v1, rows_v1, sem1))
        pltpu.sync_copy(idx_hbm.at[pl.ds(base, _CHUNK)], idx_v0)
        cp = pltpu.async_copy(table_hbm.at[idx_v0], rows_v0, sem0)
        for c in range(nchunk):
            _, rv, _ = bufs[c % 2]
            cp.wait()
            if c + 1 < nchunk:
                niv, nrv, nsm = bufs[(c + 1) % 2]
                pltpu.sync_copy(
                    idx_hbm.at[pl.ds(base + (c + 1) * _CHUNK, _CHUNK)], niv)
                cp = pltpu.async_copy(table_hbm.at[niv], nrv, nsm)
            pltpu.sync_copy(rv, out_hbm.at[pl.ds(base + c * _CHUNK, _CHUNK)])

    return gather_kernel(table, idx)


def _ste_body(x_ref, qx_ref, qs_ref, o_ref):
    q = 0.5 * (qx_ref[...] + qs_ref[...])
    o_ref[...] = x_ref[...] + (q - x_ref[...])


_STE_BLK = 4096


def _tc_ste(x, qx, qs):
    n, d = x.shape
    grid = (n // _STE_BLK,)
    return pl.pallas_call(
        _ste_body,
        grid=grid,
        in_specs=[
            pl.BlockSpec((_STE_BLK, d), lambda i: (i, 0)),
            pl.BlockSpec((_STE_BLK, d), lambda i: (i, 0)),
            pl.BlockSpec((_STE_BLK, d), lambda i: (i, 0)),
        ],
        out_specs=pl.BlockSpec((_STE_BLK, d), lambda i: (i, 0)),
        out_shape=jax.ShapeDtypeStruct((n, d), x.dtype),
    )(x, qx, qs)


def kernel(x, codebook):
    b, t, d = x.shape
    flat = x.reshape(-1, d)
    embed = codebook[0]
    dist = (jnp.sum(flat ** 2, axis=1, keepdims=True)
            - 2.0 * (flat @ embed)
            + jnp.sum(embed ** 2, axis=0, keepdims=True))
    idx = jnp.argmin(dist, axis=1)
    embed_t = embed.T
    table_aug = jnp.concatenate(
        [embed_t, jnp.arange(embed_t.shape[0], dtype=embed_t.dtype)[:, None]],
        axis=1)
    quant_aug = jnp.take(table_aug, idx, axis=0)
    quant_x = quant_aug[:, :d]
    idx_sc = quant_aug[:, d].astype(jnp.int32)
    quant_sc = _sc_gather(embed_t, idx_sc)
    return _tc_ste(flat, quant_x, quant_sc).reshape(b, t, d)

# --- scband reference (transcript-rebuilt; emitter-appended) ---
"""Pipeline reference for scband-qlayer-44100724195348 (READ-ONLY COPY).

The authoritative reference and input builder live on the scoring server;
editing this copy changes nothing except your own understanding.
"""

import jax, jax.numpy as jnp
import numpy as np

B, T, D = 16, 1024, 256
N_CODEBOOKS = 1
K = 8192
CODE_DIM = D // N_CODEBOOKS


def setup_inputs(seed: int = 0) -> dict:
    key = jax.random.key(seed)
    k1, k2 = jax.random.split(key)
    # x: encoder input; with args.downsample == 1 the encoder is the identity lambda,
    # so x feeds directly into Quantize. Channel-last layout [B, HW, D].
    x = jax.random.normal(k1, (B, T, D), dtype=jnp.float32)
    # Learned codebook(s): one per sub-codebook, stored as (N, code_dim, K)
    # (rosinality-style 'embed' layout, EMA-updated in the original).
    codebook = jax.random.normal(k2, (N_CODEBOOKS, CODE_DIM, K), dtype=jnp.float32) * 0.02
    return {"x": x, "codebook": codebook}


def reference(x, codebook):
    # QLayer.up with identity encoder: z_e = x; (z_q, diff, argmin, ppl) = quantize(z_e); return z_q
    b, t, d = x.shape
    n, code_dim, k = codebook.shape
    xs = x.reshape(b, t, n, code_dim)
    quantized_parts = []
    for i in range(n):
        flat = xs[:, :, i, :].reshape(-1, code_dim)            # [B*T, code_dim]
        embed = codebook[i]                                     # [code_dim, K]
        # squared L2 distance to every code: ||z||^2 - 2 z.e + ||e||^2
        dist = (
            jnp.sum(flat ** 2, axis=1, keepdims=True)
            - 2.0 * (flat @ embed)
            + jnp.sum(embed ** 2, axis=0, keepdims=True)
        )                                                       # [B*T, K]
        argmin = jnp.argmin(dist, axis=1)                       # [B*T]
        quant = jnp.take(embed.T, argmin, axis=0)               # gather codes -> [B*T, code_dim]
        quantized_parts.append(quant.reshape(b, t, code_dim))
    z_q = jnp.stack(quantized_parts, axis=2).reshape(b, t, d)
    # straight-through estimator: z_q = z_e + (z_q - z_e).detach()
    z_q = x + jax.lax.stop_gradient(z_q - x)
    return z_q

if __name__ == "__main__":
    import jax
    _d = setup_inputs()
    print(jax.jit(kernel)(*tuple(_d.values())))

</pallas_src>

<mosaic_0001>
#map = affine_map<(d0, d1) -> (0, 0)>
#map1 = affine_map<(d0, d1) -> (0)>
module attributes {stable_mosaic.version = 14 : i64} {
  func.func @gather_kernel(%arg0: i32, %arg1: i32, %arg2: memref<8192x256xf32, #tpu.memory_space<hbm>>, %arg3: memref<16384xi32, #tpu.memory_space<hbm>>, %arg4: memref<16384x256xf32, #tpu.memory_space<hbm>>, %arg5: memref<128xi32, #tpu.memory_space<vmem>>, %arg6: memref<128x256xf32, #tpu.memory_space<vmem>>, %arg7: memref<!tpu.dma_semaphore, #tpu.memory_space<semaphore_mem>>, %arg8: memref<128xi32, #tpu.memory_space<vmem>>, %arg9: memref<128x256xf32, #tpu.memory_space<vmem>>, %arg10: memref<!tpu.dma_semaphore, #tpu.memory_space<semaphore_mem>>) attributes {dimension_semantics = [#tpu.dimension_semantics<core_parallel>, #tpu.dimension_semantics<subcore_parallel>], iteration_bounds = array<i64: 2, 16>, scalar_prefetch = 0 : i64, scratch_operands = 6 : i64, tpu.core_type = #tpu.core_type<sc_vector_subcore>, window_params = [{transform_indices = #map}, {transform_indices = #map1}, {transform_indices = #map}]} {
    %mul3A = arith.constant 2 : i32
    %mul3A_0 = arith.muli %arg1, %mul3A : i32
    %add3A = arith.addi %mul3A_0, %arg0 : i32
    %mul3A_1 = arith.constant 512 : i32
    %mul3A_2 = arith.muli %add3A, %mul3A_1 : i32
    "tpu.region"() ({
      %run_scoped3A = tpu.sem_alloc : memref<!tpu.dma_semaphore, #tpu.memory_space<semaphore_mem>>
      %dma_start3A_39 = tpu.memref_slice %arg3[%mul3A_2] : memref<16384xi32, #tpu.memory_space<hbm>> -> memref<128xi32, #tpu.memory_space<hbm>>
      %dma_start3A_40 = tpu.memref_slice %arg3[%mul3A_2] : memref<16384xi32, #tpu.memory_space<hbm>> -> memref<128xi32, #tpu.memory_space<hbm>>
      tpu.enqueue_dma source(%dma_start3A_40 : memref<128xi32, #tpu.memory_space<hbm>>) target(%arg5 : memref<128xi32, #tpu.memory_space<vmem>>) target_semaphore(%run_scoped3A : memref<!tpu.dma_semaphore, #tpu.memory_space<semaphore_mem>>)
      %dma_wait3A_41 = tpu.memref_slice %arg3[%mul3A_2] : memref<16384xi32, #tpu.memory_space<hbm>> -> memref<128xi32, #tpu.memory_space<hbm>>
      %dma_wait3A_42 = tpu.memref_slice %arg3[%mul3A_2] : memref<16384xi32, #tpu.memory_space<hbm>> -> memref<128xi32, #tpu.memory_space<hbm>>
      tpu.wait_dma2 semaphore(%run_scoped3A : memref<!tpu.dma_semaphore, #tpu.memory_space<semaphore_mem>>) src(%dma_wait3A_42 : memref<128xi32, #tpu.memory_space<hbm>>) dst(%arg5 : memref<128xi32, #tpu.memory_space<vmem>>)
      tpu.yield
    }) : () -> ()
    %dma_start3A = arith.constant 0 : i32
    %dma_start3A_3 = arith.constant 0 : i32
    %dma_start3A_4 = tpu.memref_slice %arg2[%dma_start3A, %dma_start3A_3] : memref<8192x256xf32, #tpu.memory_space<hbm>> -> memref<8192x256xf32, #tpu.memory_space<hbm>>
    tpu.enqueue_indirect_dma source(%dma_start3A_4 : memref<8192x256xf32, #tpu.memory_space<hbm>>) target(%arg6 : memref<128x256xf32, #tpu.memory_space<vmem>>) offsets(%arg5 : memref<128xi32, #tpu.memory_space<vmem>>) semaphore(%arg7 : memref<!tpu.dma_semaphore, #tpu.memory_space<semaphore_mem>>)
    %dma_wait3A = arith.constant 0 : i32
    %dma_wait3A_5 = arith.constant 0 : i32
    %dma_wait3A_6 = tpu.memref_slice %arg2[%dma_wait3A, %dma_wait3A_5] : memref<8192x256xf32, #tpu.memory_space<hbm>> -> memref<8192x256xf32, #tpu.memory_space<hbm>>
    tpu.wait_indirect_dma semaphore(%arg7 : memref<!tpu.dma_semaphore, #tpu.memory_space<semaphore_mem>>) src(%dma_wait3A_6 : memref<8192x256xf32, #tpu.memory_space<hbm>>) dst(%arg6 : memref<128x256xf32, #tpu.memory_space<vmem>>)
    %add3A_7 = arith.constant 128 : i32
    %add3A_8 = arith.addi %mul3A_2, %add3A_7 : i32
    "tpu.region"() ({
      %run_scoped3A = tpu.sem_alloc : memref<!tpu.dma_semaphore, #tpu.memory_space<semaphore_mem>>
      %dma_start3A_39 = tpu.memref_slice %arg3[%add3A_8] : memref<16384xi32, #tpu.memory_space<hbm>> -> memref<128xi32, #tpu.memory_space<hbm>>
      %dma_start3A_40 = tpu.memref_slice %arg3[%add3A_8] : memref<16384xi32, #tpu.memory_space<hbm>> -> memref<128xi32, #tpu.memory_space<hbm>>
      tpu.enqueue_dma source(%dma_start3A_40 : memref<128xi32, #tpu.memory_space<hbm>>) target(%arg8 : memref<128xi32, #tpu.memory_space<vmem>>) target_semaphore(%run_scoped3A : memref<!tpu.dma_semaphore, #tpu.memory_space<semaphore_mem>>)
      %dma_wait3A_41 = tpu.memref_slice %arg3[%add3A_8] : memref<16384xi32, #tpu.memory_space<hbm>> -> memref<128xi32, #tpu.memory_space<hbm>>
      %dma_wait3A_42 = tpu.memref_slice %arg3[%add3A_8] : memref<16384xi32, #tpu.memory_space<hbm>> -> memref<128xi32, #tpu.memory_space<hbm>>
      tpu.wait_dma2 semaphore(%run_scoped3A : memref<!tpu.dma_semaphore, #tpu.memory_space<semaphore_mem>>) src(%dma_wait3A_42 : memref<128xi32, #tpu.memory_space<hbm>>) dst(%arg8 : memref<128xi32, #tpu.memory_space<vmem>>)
      tpu.yield
    }) : () -> ()
    %dma_start3A_9 = arith.constant 0 : i32
    %dma_start3A_10 = arith.constant 0 : i32
    %dma_start3A_11 = tpu.memref_slice %arg2[%dma_start3A_9, %dma_start3A_10] : memref<8192x256xf32, #tpu.memory_space<hbm>> -> memref<8192x256xf32, #tpu.memory_space<hbm>>
    tpu.enqueue_indirect_dma source(%dma_start3A_11 : memref<8192x256xf32, #tpu.memory_space<hbm>>) target(%arg9 : memref<128x256xf32, #tpu.memory_space<vmem>>) offsets(%arg8 : memref<128xi32, #tpu.memory_space<vmem>>) semaphore(%arg10 : memref<!tpu.dma_semaphore, #tpu.memory_space<semaphore_mem>>)
    %add3A_12 = arith.constant 0 : i32
    %add3A_13 = arith.addi %mul3A_2, %add3A_12 : i32
    "tpu.region"() ({
      %run_scoped3A = tpu.sem_alloc : memref<!tpu.dma_semaphore, #tpu.memory_space<semaphore_mem>>
      %dma_start3A_39 = arith.constant 0 : i32
      %dma_start3A_40 = tpu.memref_slice %arg4[%add3A_13, %dma_start3A_39] : memref<16384x256xf32, #tpu.memory_space<hbm>> -> memref<128x256xf32, #tpu.memory_space<hbm>>
      %dma_start3A_41 = arith.constant 0 : i32
      %dma_start3A_42 = tpu.memref_slice %arg4[%add3A_13, %dma_start3A_41] : memref<16384x256xf32, #tpu.memory_space<hbm>> -> memref<128x256xf32, #tpu.memory_space<hbm>>
      tpu.enqueue_dma source(%arg6 : memref<128x256xf32, #tpu.memory_space<vmem>>) target(%dma_start3A_42 : memref<128x256xf32, #tpu.memory_space<hbm>>) target_semaphore(%run_scoped3A : memref<!tpu.dma_semaphore, #tpu.memory_space<semaphore_mem>>)
      %dma_wait3A_43 = arith.constant 0 : i32
      %dma_wait3A_44 = tpu.memref_slice %arg4[%add3A_13, %dma_wait3A_43] : memref<16384x256xf32, #tpu.memory_space<hbm>> -> memref<128x256xf32, #tpu.memory_space<hbm>>
      %dma_wait3A_45 = arith.constant 0 : i32
      %dma_wait3A_46 = tpu.memref_slice %arg4[%add3A_13, %dma_wait3A_45] : memref<16384x256xf32, #tpu.memory_space<hbm>> -> memref<128x256xf32, #tpu.memory_space<hbm>>
      tpu.wait_dma2 semaphore(%run_scoped3A : memref<!tpu.dma_semaphore, #tpu.memory_space<semaphore_mem>>) src(%arg6 : memref<128x256xf32, #tpu.memory_space<vmem>>) dst(%dma_wait3A_46 : memref<128x256xf32, #tpu.memory_space<hbm>>)
      tpu.yield
    }) : () -> ()
    %dma_wait3A_14 = arith.constant 0 : i32
    %dma_wait3A_15 = arith.constant 0 : i32
    %dma_wait3A_16 = tpu.memref_slice %arg2[%dma_wait3A_14, %dma_wait3A_15] : memref<8192x256xf32, #tpu.memory_space<hbm>> -> memref<8192x256xf32, #tpu.memory_space<hbm>>
    tpu.wait_indirect_dma semaphore(%arg10 : memref<!tpu.dma_semaphore, #tpu.memory_space<semaphore_mem>>) src(%dma_wait3A_16 : memref<8192x256xf32, #tpu.memory_space<hbm>>) dst(%arg9 : memref<128x256xf32, #tpu.memory_space<vmem>>)
    %add3A_17 = arith.constant 256 : i32
    %add3A_18 = arith.addi %mul3A_2, %add3A_17 : i32
    "tpu.region"() ({
      %run_scoped3A = tpu.sem_alloc : memref<!tpu.dma_semaphore, #tpu.memory_space<semaphore_mem>>
      %dma_start3A_39 = tpu.memref_slice %arg3[%add3A_18] : memref<16384xi32, #tpu.memory_space<hbm>> -> memref<128xi32, #tpu.memory_space<hbm>>
      %dma_start3A_40 = tpu.memref_slice %arg3[%add3A_18] : memref<16384xi32, #tpu.memory_space<hbm>> -> memref<128xi32, #tpu.memory_space<hbm>>
      tpu.enqueue_dma source(%dma_start3A_40 : memref<128xi32, #tpu.memory_space<hbm>>) target(%arg5 : memref<128xi32, #tpu.memory_space<vmem>>) target_semaphore(%run_scoped3A : memref<!tpu.dma_semaphore, #tpu.memory_space<semaphore_mem>>)
      %dma_wait3A_41 = tpu.memref_slice %arg3[%add3A_18] : memref<16384xi32, #tpu.memory_space<hbm>> -> memref<128xi32, #tpu.memory_space<hbm>>
      %dma_wait3A_42 = tpu.memref_slice %arg3[%add3A_18] : memref<16384xi32, #tpu.memory_space<hbm>> -> memref<128xi32, #tpu.memory_space<hbm>>
      tpu.wait_dma2 semaphore(%run_scoped3A : memref<!tpu.dma_semaphore, #tpu.memory_space<semaphore_mem>>) src(%dma_wait3A_42 : memref<128xi32, #tpu.memory_space<hbm>>) dst(%arg5 : memref<128xi32, #tpu.memory_space<vmem>>)
      tpu.yield
    }) : () -> ()
    %dma_start3A_19 = arith.constant 0 : i32
    %dma_start3A_20 = arith.constant 0 : i32
    %dma_start3A_21 = tpu.memref_slice %arg2[%dma_start3A_19, %dma_start3A_20] : memref<8192x256xf32, #tpu.memory_space<hbm>> -> memref<8192x256xf32, #tpu.memory_space<hbm>>
    tpu.enqueue_indirect_dma source(%dma_start3A_21 : memref<8192x256xf32, #tpu.memory_space<hbm>>) target(%arg6 : memref<128x256xf32, #tpu.memory_space<vmem>>) offsets(%arg5 : memref<128xi32, #tpu.memory_space<vmem>>) semaphore(%arg7 : memref<!tpu.dma_semaphore, #tpu.memory_space<semaphore_mem>>)
    %add3A_22 = arith.constant 128 : i32
    %add3A_23 = arith.addi %mul3A_2, %add3A_22 : i32
    "tpu.region"() ({
      %run_scoped3A = tpu.sem_alloc : memref<!tpu.dma_semaphore, #tpu.memory_space<semaphore_mem>>
      %dma_start3A_39 = arith.constant 0 : i32
      %dma_start3A_40 = tpu.memref_slice %arg4[%add3A_23, %dma_start3A_39] : memref<16384x256xf32, #tpu.memory_space<hbm>> -> memref<128x256xf32, #tpu.memory_space<hbm>>
      %dma_start3A_41 = arith.constant 0 : i32
      %dma_start3A_42 = tpu.memref_slice %arg4[%add3A_23, %dma_start3A_41] : memref<16384x256xf32, #tpu.memory_space<hbm>> -> memref<128x256xf32, #tpu.memory_space<hbm>>
      tpu.enqueue_dma source(%arg9 : memref<128x256xf32, #tpu.memory_space<vmem>>) target(%dma_start3A_42 : memref<128x256xf32, #tpu.memory_space<hbm>>) target_semaphore(%run_scoped3A : memref<!tpu.dma_semaphore, #tpu.memory_space<semaphore_mem>>)
      %dma_wait3A_43 = arith.constant 0 : i32
      %dma_wait3A_44 = tpu.memref_slice %arg4[%add3A_23, %dma_wait3A_43] : memref<16384x256xf32, #tpu.memory_space<hbm>> -> memref<128x256xf32, #tpu.memory_space<hbm>>
      %dma_wait3A_45 = arith.constant 0 : i32
      %dma_wait3A_46 = tpu.memref_slice %arg4[%add3A_23, %dma_wait3A_45] : memref<16384x256xf32, #tpu.memory_space<hbm>> -> memref<128x256xf32, #tpu.memory_space<hbm>>
      tpu.wait_dma2 semaphore(%run_scoped3A : memref<!tpu.dma_semaphore, #tpu.memory_space<semaphore_mem>>) src(%arg9 : memref<128x256xf32, #tpu.memory_space<vmem>>) dst(%dma_wait3A_46 : memref<128x256xf32, #tpu.memory_space<hbm>>)
      tpu.yield
    }) : () -> ()
    %dma_wait3A_24 = arith.constant 0 : i32
    %dma_wait3A_25 = arith.constant 0 : i32
    %dma_wait3A_26 = tpu.memref_slice %arg2[%dma_wait3A_24, %dma_wait3A_25] : memref<8192x256xf32, #tpu.memory_space<hbm>> -> memref<8192x256xf32, #tpu.memory_space<hbm>>
    tpu.wait_indirect_dma semaphore(%arg7 : memref<!tpu.dma_semaphore, #tpu.memory_space<semaphore_mem>>) src(%dma_wait3A_26 : memref<8192x256xf32, #tpu.memory_space<hbm>>) dst(%arg6 : memref<128x256xf32, #tpu.memory_space<vmem>>)
    %add3A_27 = arith.constant 384 : i32
    %add3A_28 = arith.addi %mul3A_2, %add3A_27 : i32
    "tpu.region"() ({
      %run_scoped3A = tpu.sem_alloc : memref<!tpu.dma_semaphore, #tpu.memory_space<semaphore_mem>>
      %dma_start3A_39 = tpu.memref_slice %arg3[%add3A_28] : memref<16384xi32, #tpu.memory_space<hbm>> -> memref<128xi32, #tpu.memory_space<hbm>>
      %dma_start3A_40 = tpu.memref_slice %arg3[%add3A_28] : memref<16384xi32, #tpu.memory_space<hbm>> -> memref<128xi32, #tpu.memory_space<hbm>>
      tpu.enqueue_dma source(%dma_start3A_40 : memref<128xi32, #tpu.memory_space<hbm>>) target(%arg8 : memref<128xi32, #tpu.memory_space<vmem>>) target_semaphore(%run_scoped3A : memref<!tpu.dma_semaphore, #tpu.memory_space<semaphore_mem>>)
      %dma_wait3A_41 = tpu.memref_slice %arg3[%add3A_28] : memref<16384xi32, #tpu.memory_space<hbm>> -> memref<128xi32, #tpu.memory_space<hbm>>
      %dma_wait3A_42 = tpu.memref_slice %arg3[%add3A_28] : memref<16384xi32, #tpu.memory_space<hbm>> -> memref<128xi32, #tpu.memory_space<hbm>>
      tpu.wait_dma2 semaphore(%run_scoped3A : memref<!tpu.dma_semaphore, #tpu.memory_space<semaphore_mem>>) src(%dma_wait3A_42 : memref<128xi32, #tpu.memory_space<hbm>>) dst(%arg8 : memref<128xi32, #tpu.memory_space<vmem>>)
      tpu.yield
    }) : () -> ()
    %dma_start3A_29 = arith.constant 0 : i32
    %dma_start3A_30 = arith.constant 0 : i32
    %dma_start3A_31 = tpu.memref_slice %arg2[%dma_start3A_29, %dma_start3A_30] : memref<8192x256xf32, #tpu.memory_space<hbm>> -> memref<8192x256xf32, #tpu.memory_space<hbm>>
    tpu.enqueue_indirect_dma source(%dma_start3A_31 : memref<8192x256xf32, #tpu.memory_space<hbm>>) target(%arg9 : memref<128x256xf32, #tpu.memory_space<vmem>>) offsets(%arg8 : memref<128xi32, #tpu.memory_space<vmem>>) semaphore(%arg10 : memref<!tpu.dma_semaphore, #tpu.memory_space<semaphore_mem>>)
    %add3A_32 = arith.constant 256 : i32
    %add3A_33 = arith.addi %mul3A_2, %add3A_32 : i32
    "tpu.region"() ({
      %run_scoped3A = tpu.sem_alloc : memref<!tpu.dma_semaphore, #tpu.memory_space<semaphore_mem>>
      %dma_start3A_39 = arith.constant 0 : i32
      %dma_start3A_40 = tpu.memref_slice %arg4[%add3A_33, %dma_start3A_39] : memref<16384x256xf32, #tpu.memory_space<hbm>> -> memref<128x256xf32, #tpu.memory_space<hbm>>
      %dma_start3A_41 = arith.constant 0 : i32
      %dma_start3A_42 = tpu.memref_slice %arg4[%add3A_33, %dma_start3A_41] : memref<16384x256xf32, #tpu.memory_space<hbm>> -> memref<128x256xf32, #tpu.memory_space<hbm>>
      tpu.enqueue_dma source(%arg6 : memref<128x256xf32, #tpu.memory_space<vmem>>) target(%dma_start3A_42 : memref<128x256xf32, #tpu.memory_space<hbm>>) target_semaphore(%run_scoped3A : memref<!tpu.dma_semaphore, #tpu.memory_space<semaphore_mem>>)
      %dma_wait3A_43 = arith.constant 0 : i32
      %dma_wait3A_44 = tpu.memref_slice %arg4[%add3A_33, %dma_wait3A_43] : memref<16384x256xf32, #tpu.memory_space<hbm>> -> memref<128x256xf32, #tpu.memory_space<hbm>>
      %dma_wait3A_45 = arith.constant 0 : i32
      %dma_wait3A_46 = tpu.memref_slice %arg4[%add3A_33, %dma_wait3A_45] : memref<16384x256xf32, #tpu.memory_space<hbm>> -> memref<128x256xf32, #tpu.memory_space<hbm>>
      tpu.wait_dma2 semaphore(%run_scoped3A : memref<!tpu.dma_semaphore, #tpu.memory_space<semaphore_mem>>) src(%arg6 : memref<128x256xf32, #tpu.memory_space<vmem>>) dst(%dma_wait3A_46 : memref<128x256xf32, #tpu.memory_space<hbm>>)
      tpu.yield
    }) : () -> ()
    %dma_wait3A_34 = arith.constant 0 : i32
    %dma_wait3A_35 = arith.constant 0 : i32
    %dma_wait3A_36 = tpu.memref_slice %arg2[%dma_wait3A_34, %dma_wait3A_35] : memref<8192x256xf32, #tpu.memory_space<hbm>> -> memref<8192x256xf32, #tpu.memory_space<hbm>>
    tpu.wait_indirect_dma semaphore(%arg10 : memref<!tpu.dma_semaphore, #tpu.memory_space<semaphore_mem>>) src(%dma_wait3A_36 : memref<8192x256xf32, #tpu.memory_space<hbm>>) dst(%arg9 : memref<128x256xf32, #tpu.memory_space<vmem>>)
    %add3A_37 = arith.constant 384 : i32
    %add3A_38 = arith.addi %mul3A_2, %add3A_37 : i32
    "tpu.region"() ({
      %run_scoped3A = tpu.sem_alloc : memref<!tpu.dma_semaphore, #tpu.memory_space<semaphore_mem>>
      %dma_start3A_39 = arith.constant 0 : i32
      %dma_start3A_40 = tpu.memref_slice %arg4[%add3A_38, %dma_start3A_39] : memref<16384x256xf32, #tpu.memory_space<hbm>> -> memref<128x256xf32, #tpu.memory_space<hbm>>
      %dma_start3A_41 = arith.constant 0 : i32
      %dma_start3A_42 = tpu.memref_slice %arg4[%add3A_38, %dma_start3A_41] : memref<16384x256xf32, #tpu.memory_space<hbm>> -> memref<128x256xf32, #tpu.memory_space<hbm>>
      tpu.enqueue_dma source(%arg9 : memref<128x256xf32, #tpu.memory_space<vmem>>) target(%dma_start3A_42 : memref<128x256xf32, #tpu.memory_space<hbm>>) target_semaphore(%run_scoped3A : memref<!tpu.dma_semaphore, #tpu.memory_space<semaphore_mem>>)
      %dma_wait3A_43 = arith.constant 0 : i32
      %dma_wait3A_44 = tpu.memref_slice %arg4[%add3A_38, %dma_wait3A_43] : memref<16384x256xf32, #tpu.memory_space<hbm>> -> memref<128x256xf32, #tpu.memory_space<hbm>>
      %dma_wait3A_45 = arith.constant 0 : i32
      %dma_wait3A_46 = tpu.memref_slice %arg4[%add3A_38, %dma_wait3A_45] : memref<16384x256xf32, #tpu.memory_space<hbm>> -> memref<128x256xf32, #tpu.memory_space<hbm>>
      tpu.wait_dma2 semaphore(%run_scoped3A : memref<!tpu.dma_semaphore, #tpu.memory_space<semaphore_mem>>) src(%arg9 : memref<128x256xf32, #tpu.memory_space<vmem>>) dst(%dma_wait3A_46 : memref<128x256xf32, #tpu.memory_space<hbm>>)
      tpu.yield
    }) : () -> ()
    return
  }
}

module attributes {stable_mosaic.version = 14 : i64} {
  func.func @_ste_body(%arg0: i32, %arg1: memref<4096x256xf32, #tpu.memory_space<vmem>>, %arg2: memref<4096x256xf32, #tpu.memory_space<vmem>>, %arg3: memref<4096x256xf32, #tpu.memory_space<vmem>>, %arg4: memref<4096x256xf32, #tpu.memory_space<vmem>>) attributes {dimension_semantics = [#tpu.dimension_semantics<arbitrary>], iteration_bounds = array<i64: 4>, scalar_prefetch = 0 : i64, scratch_operands = 0 : i64, tpu.core_type = #tpu.core_type<tc>, window_params = [{transform_indices = @transform_0, window_bounds = array<i64: 4096, 256>}, {transform_indices = @transform_1, window_bounds = array<i64: 4096, 256>}, {transform_indices = @transform_2, window_bounds = array<i64: 4096, 256>}, {transform_indices = @transform_3, window_bounds = array<i64: 4096, 256>}]} {
    %get3A = arith.constant 0 : index
    %get3A_0 = arith.constant 0 : index
    %get3A_1 = vector.load %arg2[%get3A, %get3A_0] : memref<4096x256xf32, #tpu.memory_space<vmem>>, vector<4096x256xf32>
    %get3A_2 = arith.constant 0 : index
    %get3A_3 = arith.constant 0 : index
    %get3A_4 = vector.load %arg3[%get3A_2, %get3A_3] : memref<4096x256xf32, #tpu.memory_space<vmem>>, vector<4096x256xf32>
    %add3A = arith.addf %get3A_1, %get3A_4 : vector<4096x256xf32>
    %mul3A = arith.constant 5.000000e-01 : f32
    %mul3A_5 = vector.broadcast %mul3A : f32 to vector<4096x256xf32>
    %mul3A_6 = arith.mulf %mul3A_5, %add3A : vector<4096x256xf32>
    %get3A_7 = arith.constant 0 : index
    %get3A_8 = arith.constant 0 : index
    %get3A_9 = vector.load %arg1[%get3A_7, %get3A_8] : memref<4096x256xf32, #tpu.memory_space<vmem>>, vector<4096x256xf32>
    %get3A_10 = arith.constant 0 : index
    %get3A_11 = arith.constant 0 : index
    %get3A_12 = vector.load %arg1[%get3A_10, %get3A_11] : memref<4096x256xf32, #tpu.memory_space<vmem>>, vector<4096x256xf32>
    %sub3A = arith.subf %mul3A_6, %get3A_12 : vector<4096x256xf32>
    %add3A_13 = arith.addf %get3A_9, %sub3A : vector<4096x256xf32>
    %swap3A = arith.constant 0 : index
    %swap3A_14 = arith.constant 0 : index
    %swap3A_15 = vector.load %arg4[%swap3A, %swap3A_14] : memref<4096x256xf32, #tpu.memory_space<vmem>>, vector<4096x256xf32>
    tpu.vector_store %arg4[%swap3A, %swap3A_14], %add3A_13 {strides = array<i32>} : memref<4096x256xf32, #tpu.memory_space<vmem>>, vector<4096x256xf32>,
    return
  }
  func.func @transform_0(%arg0: i32) -> (i32, i32) {
    %c0_i32 = arith.constant 0 : i32
    %c0_i32_0 = arith.constant 0 : i32
    return %arg0, %c0_i32 : i32, i32
  }
  func.func @transform_1(%arg0: i32) -> (i32, i32) {
    %c0_i32 = arith.constant 0 : i32
    %c0_i32_0 = arith.constant 0 : i32
    return %arg0, %c0_i32 : i32, i32
  }
  func.func @transform_2(%arg0: i32) -> (i32, i32) {
    %c0_i32 = arith.constant 0 : i32
    %c0_i32_0 = arith.constant 0 : i32
    return %arg0, %c0_i32 : i32, i32
  }
  func.func @transform_3(%arg0: i32) -> (i32, i32) {
    %c0_i32 = arith.constant 0 : i32
    %c0_i32_0 = arith.constant 0 : i32
    return %arg0, %c0_i32 : i32, i32
  }
}

</mosaic_0001>

<sc_bundles>
// kernel: kernel.4.cloned.1.call-start
scs
__scs_entry_jumppad:
0x0: {  	(pc) =	sbr.rel $0x88, $3  }
0x1: {  	(tag) =	ssettag $0x0;
	lr =	simm.s32 $0x1  }
0x2: {  	[smem:$0x3F9F] =	sst lr;
	_ =	strace $0xD0000000  }
0x3: {  	_ = 	snop  }
0x4: {  	_ = 	snop  }
0x5: {  	_ = 	snop  }
0x6: {  	_ = 	snop  }
0x7: {  	_ = 	snop  }
__scs_overlays_trampoline_lowered:
0x8: {  	[smem:$0x3FAE] =	sst s0  }
0x9: {  	[smem:$0x3FAF] =	sst s1  }
0xa: {  	[smem:$0x3FB0] =	sst s2  }
0xb: {  	[smem:$0x3FB1] =	sst s3  }
0xc: {  	[smem:$0x3FB2] =	sst s4  }
0xd: {  	[smem:$0x3FB3] =	sst s5  }
0xe: {  	[smem:$0x3FB4] =	sst s6  }
0xf: {  	[smem:$0x3FB5] =	sst s7  }
0x10: {  	[smem:$0x3FB6] =	sst s8  }
0x11: {  	[smem:$0x3FB7] =	sst s9;
	s0 =	simm.s32 @!p0 $0x0  }
0x12: {  	s1 =	sld [smem:$0x3F9D];
	s0 =	simm.s32 @p0 $0x1  }
0x13: {  	[smem:$0x3FB8] =	sst s0;
	s0 =	simm.s32 @!p1 $0x0  }
0x14: {  	s2 =	sld [smem:$0x3F9C];
	s0 =	simm.s32 @p1 $0x1  }
0x15: {  	[smem:$0x3FB9] =	sst s0;
	s0 =	simm.s32 @!p2 $0x0  }
0x16: {  	s3 =	sld [smem:$0x3FDB];
	s0 =	simm.s32 @p2 $0x1  }
0x17: {  	s4 =	simm.s32 $0x1BF5;
	[smem:$0x3FBB] =	sst s0  }
0x18: {  	s0 =	sld [smem:$0x3F9E];
	_ =	swait.ge [sflag:s4], $0x0  }
0x19: {  	s7 =	sld [smem:$0x3F9F]  }
0x1a: {  	s8 =	sadd.s32 $0xFFFFE003, lr  }
0x1b: {  	s9 =	sadd.s32 $0xFFFFFEF7, lr;
	s5 =	simm.s32 $0xFFFFFFFF;
	p2 =	slt.u32 s8, $0xFFFFF086  }
0x1c: {  	p1 =	slt.u32 s9, $0xF7A;
	s5 =	simm.s32 @!p2 $0x0  }
0x1d: {  	s5 =	simm.s32 @p1 $0x1;
	p0 =	seq.s32 s7, s2  }
0x1e: {  	s7 =	smul.u32 @!p0 $0xF7A, s2;
	p2 =	seq.s32 @!p0 s5, $0x0  }
0x1f: {  	s9 =	smul.u32 $0xF7A, s1;
	s8 =	simm.s32 @!p0 $0x1BF5;
	p2 =	por !p2, p0  }
0x20: {  	[sflag:s8] =	ssyncset.s32 @!p0 $0xFFFFF086;
	s6 =	sadd.s32 @!p0 s3, s7;
	s7 =	simm.s32 @!p0 $0x108  }
0x21: {  	s3 =	sadd.s32 s3, s9;
	s6 =	sadd.s32 @!p0 $0x88, s6;
	s7 =	simm.s32 @p2 $0x1082  }
0x22: {  	[simem:s7], [sflag:s8] =	dma.local @!p0 [hbm:s6], $0xF7A  }
0x23: {  	s9 =	sor.u32 $0xD0000000, s2;
	s6 =	simm.s32 $0x108;
	_ =	swait.ge @!p0 [sflag:s8], $0x0  }
0x24: {  	s3 =	sadd.s32 $0x88, s3;
	s6 =	simm.s32 @!p1 $0x1082;
	[sflag:s4] =	ssyncset.s32 $0xFFFFF086  }
0x25: {  	[simem:s6], [sflag:s4] =	dma.local [hbm:s3], $0xF7A  }
0x26: {  	[smem:$0x3F9F] =	sst s1;
	(tag) =	ssettag s2;
	_ =	strace s9  }
0x27: {  	s1 =	sld [smem:$0x3FAF]  }
0x28: {  	s2 =	sld [smem:$0x3FB0]  }
0x29: {  	s4 =	sld [smem:$0x3FB2]  }
0x2a: {  	p0 =	seq.s32 s5, $0x0;
	s5 =	sld [smem:$0x3FB3]  }
0x2b: {  	s6 =	sld [smem:$0x3FB4]  }
0x2c: {  	s7 =	sld [smem:$0x3FB5]  }
0x2d: {  	s3 =	simm.s32 $0x108;
	s8 =	sld [smem:$0x3FB6]  }
0x2e: {  	s3 =	simm.s32 @!p0 $0x1082;
	s9 =	sld [smem:$0x3FB7]  }
0x2f: {  	lr =	sadd.s32 s0, s3;
	s0 =	sld [smem:$0x3FAE]  }
0x30: {  	s3 =	sld [smem:$0x3FB1]  }
0x31: {  	[smem:$0x3FBA] =	sst s10  }
0x32: {  	s10 =	sld [smem:$0x3FB8];
	_ =	sdelay $0x3  }
0x33: {  	p0 =	seq.s32 s10, $0x1;
	s10 =	sld [smem:$0x3FBA];
	_ =	sdelay $0x3  }
0x34: {  	[smem:$0x3FBA] =	sst s10  }
0x35: {  	s10 =	sld [smem:$0x3FB9];
	_ =	sdelay $0x3  }
0x36: {  	p1 =	seq.s32 s10, $0x1;
	s10 =	sld [smem:$0x3FBA];
	_ =	sdelay $0x3  }
0x37: {  	[smem:$0x3FBA] =	sst s10  }
0x38: {  	s10 =	sld [smem:$0x3FBB]  }
0x39: {  	_ = 	snop;
	(pc) =	sbr.ind lr, $3  }
0x3a: {  	_ = 	snop  }
0x3b: {  	_ = 	snop  }
0x3c: {  	p2 =	seq.s32 s10, $0x1;
	s10 =	sld [smem:$0x3FBA]  }
0x3d: {  	_ =	shalt  }
0x3e: {  	_ =	shalt  }
0x3f: {  	_ =	shalt  }
0x40: {  	_ =	shalt  }
0x41: {  	_ =	shalt  }
0x42: {  	_ =	shalt  }
0x43: {  	_ =	shalt  }
0x44: {  	_ =	shalt  }
0x45: {  	_ =	shalt  }
0x46: {  	_ =	shalt  }
0x47: {  	_ =	shalt  }
0x48: {  	_ =	shalt  }
0x49: {  	_ =	shalt  }
0x4a: {  	_ =	shalt  }
0x4b: {  	_ =	shalt  }
0x4c: {  	_ =	shalt  }
0x4d: {  	_ =	shalt  }
0x4e: {  	_ =	shalt  }
0x4f: {  	_ =	shalt  }
0x50: {  	_ =	shalt  }
0x51: {  	_ =	shalt  }
0x52: {  	_ =	shalt  }
0x53: {  	_ =	shalt  }
0x54: {  	_ =	shalt  }
0x55: {  	_ =	shalt  }
0x56: {  	_ =	shalt  }
0x57: {  	_ =	shalt  }
0x58: {  	_ =	shalt  }
0x59: {  	_ =	shalt  }
0x5a: {  	_ =	shalt  }
0x5b: {  	_ =	shalt  }
0x5c: {  	_ =	shalt  }
0x5d: {  	_ =	shalt  }
0x5e: {  	_ =	shalt  }
0x5f: {  	_ =	shalt  }
0x60: {  	_ =	shalt  }
0x61: {  	_ =	shalt  }
0x62: {  	_ =	shalt  }
0x63: {  	_ =	shalt  }
0x64: {  	_ =	shalt  }
0x65: {  	_ =	shalt  }
0x66: {  	_ =	shalt  }
0x67: {  	_ =	shalt  }
0x68: {  	_ =	shalt  }
0x69: {  	_ =	shalt  }
0x6a: {  	_ =	shalt  }
0x6b: {  	_ =	shalt  }
0x6c: {  	_ =	shalt  }
0x6d: {  	_ =	shalt  }
0x6e: {  	_ =	shalt  }
0x6f: {  	_ =	shalt  }
0x70: {  	_ =	shalt  }
0x71: {  	_ =	shalt  }
0x72: {  	_ =	shalt  }
0x73: {  	_ =	shalt  }
0x74: {  	_ =	shalt  }
0x75: {  	_ =	shalt  }
0x76: {  	_ =	shalt  }
0x77: {  	_ =	shalt  }
0x78: {  	_ =	shalt  }
0x79: {  	_ =	shalt  }
0x7a: {  	_ =	shalt  }
0x7b: {  	_ =	shalt  }
0x7c: {  	_ =	shalt  }
0x7d: {  	_ =	shalt  }
0x7e: {  	_ =	shalt  }
0x7f: {  	_ =	shalt  }
0x80: {  	_ =	shalt  }
0x81: {  	_ =	shalt  }
0x82: {  	_ =	shalt  }
0x83: {  	_ =	shalt  }
0x84: {  	_ =	shalt  }
0x85: {  	_ =	shalt  }
0x86: {  	_ =	shalt  }
0x87: {  	_ =	shalt  }
.Lfunc_end0:
.L_simem_size_0:
called_computation_lowered:
.L_overlay_start_0:
0x88: {  	s2 =	sld [smem:$0x3FD9]  }
0x89: {  	s3 =	sld [smem:$0x3FFE];
	_ =	sdelay $0x1  }
0x8a: {  	s1 =	srdreg.scid  }
0x8b: {  	s0 =	sand.u32 $0x1, s1  }
0x8c: {  	s17 =	sshll.u32 s0, $0xA;
	s2 =	sadd.s32 s3, s2  }
0x8d: {  	s2 =	sadd.s32 s2, s17  }
0x8e: {  	[smem:$0x3FC6] =	sst s2  }
0x8f: {  	_ = 	snop  }
0x90: {  	s2 =	sld [smem:$0x3FD0];
	(tm) =	ssettm $0x1  }
0x91: {  	s18 =	sld [smem:$0x3FFB];
	_ =	sdelay $0x3  }
0x92: {  	_ =	strace s18  }
0x93: {  	s3 =	sld [smem:$0x3FFC];
	_ =	sdelay $0x3  }
0x94: {  	_ =	strace s3  }
0x95: {  	s3 =	sld [smem:$0x3FFD];
	_ =	sdelay $0x3  }
0x96: {  	_ =	strace s3  }
0x97: {  	_ =	strace $0x8FFFFFFF  }
0x98: {  	s19 =	sld [smem:$0x3FDB];
	_ =	sdelay $0x1  }
0x99: {  	s4 =	simm.s32 $_scs_section_size  }
0x9a: {  	s5 =	simm.s32 $_size__tile_overlayer_lowered;
	s6 =	simm.s32 $_tile_overlayer_lowered  }
0x9b: {  	s22 =	simm.s32 $0x1BFF;
	s21 =	sshll.u32 s6, $0x1;
	s3 =	sadd.s32 s4, s19  }
0x9c: {  	s7 =	simm.s32 $0x0;
	s20 =	sshll.u32 s5, $0x1;
	s5 =	sadd.s32 s21, s3  }
0x9d: {  	[timem:s7], [sflag:s22] =	dma.local [hbm:s5], s20  }
0x9e: {  	_ =	swait.ge [sflag:s22], s20  }
0x9f: {  	s4 =	ssub.s32 $0x0, s20;
	[sflag:s22] =	ssyncset.done $0x0  }
0xa0: {  	[sflag:s22] =	ssyncadd.s32 s4;
	_ =	sdelay $0x1  }
0xa1: {  	s23 =	simm.s32 $0x1B8B  }
0xa2: {  	_ =	swait.ge [sflag:s23], $0x1  }
0xa3: {  	[sflag:s23] =	ssyncset.done $0x0  }
0xa4: {  	s25 =	simm.s32 $0x1B8E;
	s24 =	sld [smem:$0x3FFE];
	[sflag:s23] =	ssyncadd.s32 $0xFFFFFFFF  }
0xa5: {  	s26 =	simm.s32 $execute0_lowered;
	[smem:$0x3FD2] =	sst s25  }
0xa6: {  	s5 =	sshll.u32 s26, $0x1;
	_ =	strace $0x80000046;
	[dreg:$0x1] =	wrdreg $0xFFFFFFFF  }
0xa7: {  	s28 =	simm.s32 $_size_execute0_lowered;
	s3 =	sadd.s32 s3, s5;
	[dreg:$0x0] =	wrdreg $0x0  }
0xa8: {  	s5 =	sshll.u32 s28, $0x1;
	[dreg:$0x2] =	wrdreg s3  }
0xa9: {  	[dreg:$0x3] =	wrdreg s5  }
0xaa: {  	[dreg:$0x4] =	wrdreg $0xC0  }
0xab: {  	_ =	task [dreg:s7], $0x5FFFF  }
0xac: {  	[dreg:$0x1] =	wrdreg $0xFFFFFFFF  }
0xad: {  	[dreg:$0x0] =	wrdreg $0x60  }
0xae: {  	[dreg:$0x2] =	wrdreg s2  }
0xaf: {  	[dreg:$0x3] =	wrdreg s24  }
0xb0: {  	[dreg:$0x4] =	wrdreg $0x9  }
0xb1: {  	_ =	task.clear_ibuf [dreg:s7], $0x5FFFF;
	_ =	strace $0x90000046  }
0xb2: {  	s29 =	simm.s32 $0x9;
	_ =	strace $0x80000048  }
0xb3: {  	_ =	swait.ge [sflag:s29], $0x1  }
0xb4: {  	[sflag:s29] =	ssyncadd.s32 $0xFFFFFFFF  }
0xb5: {  	_ =	strace $0x90000048  }
0xb6: {  	_ =	sfence  }
0xb7: {  	s30 =	sld [smem:$0x0];
	_ =	sdelay $0x2  }
0xb8: {  	s31 =	sshll.u32 s1, $0xD;
	s1 =	sshrl.u32 s1, $0x2  }
0xb9: {  	s3 =	sand.u32 $0x4000, s31;
	s1 =	sadd.s32 s1, s30  }
0xba: {  	s0 =	sor.u32 s3, s0;
	s1 =	sshll.u32 s1, $0x11  }
0xbb: {  	s0 =	sor.u32 s1, s0  }
0xbc: {  	s0 =	sadd.s32 $0x8F2B, s0  }
0xbd: {  	[sflag:s0] =	ssyncadd.remote.s32 $0x1  }
0xbe: {  	_ =	sfence.sel $0xFFFF  }
0xbf: {  	[dreg:$0x0] =	wrdreg $0xFFFFFFFF;
	(pc) =	sbr.abs _section_cstart, $3  }
0xc0: {  	[dreg:$0x1] =	wrdreg $0xFFFFFFFF  }
0xc1: {  	_ =	task.clear_ibuf [dreg:s7], $0x2FFFF;
	_ =	strace $0x9FFFFFFF  }
0xc2: {  	(tm) =	ssettm $0x7FFFFFFF  }
0xc3: {  	_ =	shalt  }
tec
execute0_lowered:
.L_overlay_start_1:
0x0: {  	(tag) =	ssettag $0x1  }
0x1: {  	s1 =	rddreg [dreg:$0x0]  }
0x2: {  	s0 =	rddreg [dreg:$0x1]  }
0x3: {  	s2 =	srdreg.scid;
	s3 =	simm.s32 $0x0;
	s4 =	stileid.u32  }
0x4: {  	s16 =	simm.s32 $0x880;
	s28 =	simm.s32 $0x5080;
	s29 =	simm.s32 $0x5880  }
0x5: {  	s30 =	simm.s32 $0x6080;
	s31 =	simm.s32 $0x6880;
	s10 =	simm.s32 $0x9900  }
0x6: {  	s11 =	simm.s32 $0xA100;
	s12 =	simm.s32 $0xA900;
	s13 =	simm.s32 $0xB100  }
0x7: {  	s2 =	sand.u32 $0x1, s2;
	[smem:$0x7FF] =	sst s3;
	s4 =	sshll.u32 s4, $0xA  }
0x8: {  	s6 =	sadd.s32 $0xC0000, s0;
	s0 =	sadd.s32 $0xC0800, s0;
	s5 =	sshll.u32 s2, $0x9  }
0x9: {  	_ =	strace $0x80000047;
	s2 =	ssub.s32 $0x2, s2;
	s4 =	sor.u32 s5, s4  }
0xa: {  	s9 =	sshrl.u32 s2, $0x1;
	s5 =	sshrl.u32 s4, $0x3;
	s7 =	sor.u32 $0x80, s4  }
0xb: {  	s18 =	sshll.u32 s4, $0x5;
	s20 =	sor.u32 $0x100, s4;
	s4 =	sor.u32 $0x180, s4  }
0xc: {  	s2 =	ssub.s32 s2, s9;
	s9 =	simm.s32 $0x9100;
	s5 =	sadd.s32 s6, s5  }
0xd: {  	s8 =	sshrl.u32 s7, $0x3;
	s19 =	sadd.s32 s0, s18;
	s21 =	sshrl.u32 s20, $0x3  }
0xe: {  	s7 =	sshll.u32 s7, $0x5;
	s23 =	sshrl.u32 s4, $0x3;
	s25 =	sshll.u32 s20, $0x5  }
0xf: {  	s4 =	sshll.u32 s4, $0x5;
	s18 =	simm.s32 $0x1880;
	[dreg:$0x3] =	wrdreg s5  }
0x10: {  	s20 =	simm.s32 $0x2880;
	s17 =	sadd.s32 s6, s8;
	[dreg:$0x5] =	wrdreg s19  }
0x11: {  	s5 =	sadd.s32 s6, s21;
	s22 =	sadd.s32 s0, s7;
	s24 =	sadd.s32 s6, s23  }
0x12: {  	s26 =	sadd.s32 s0, s25;
	s0 =	sadd.s32 s0, s4;
	[dreg:$0x4] =	wrdreg s17  }
0x13: {  	s4 =	smax.u32 s2, $0x1;
	s7 =	simm.s32 $0x2;
	[dreg:$0x6] =	wrdreg s5  }
0x14: {  	s19 =	simm.s32 $0x2080;
	s21 =	simm.s32 $0x3080;
	[dreg:$0x7] =	wrdreg s22  }
0x15: {  	s23 =	simm.s32 $0x3880;
	s25 =	simm.s32 $0x4080;
	[dreg:$0x8] =	wrdreg s24  }
0x16: {  	v2 =	vlaneseq.u32;
	s2 =	simm.s32 $0x7080;
	s6 =	simm.s32 $0x7880;
	[dreg:$0x9] =	wrdreg s26  }
0x17: {  	vm0 =	vmmov $0xffff;
	v1 =	vshrl.u32 v2, $0x3;
	[dreg:$0xa] =	wrdreg s0;
	s5 =	simm.s32 $0x3;
	s17 =	simm.s32 $0x1080  }
0x18: {  	v0 =	vand.u32 $0x7, v2;
	v2 =	vor.u32 $0x8, v2;
	v1 =	vmul.u32 $0x8, v1;
	s26 =	simm.s32 $0x4880;
	s22 =	simm.s32 $0x8100;
	s24 =	simm.s32 $0xC100  }
.LBB2_1:
0x19: {  	s15 =	rddreg [dreg:$0x3]  }
0x1a: {  	[tilespmem:s3], [sflag:$0x3] =	stream.linear.gather [hbm4b:s15+s3], $0x80, $0x38;
	[tilespmem:$0x10100] =	vst v63  }
0x1b: {  	_ =	swait.ge [sflag:s5], $0x80  }
0x1c: {  	[sflag:s5] =	ssyncset.done $0x0  }
0x1d: {  	[sflag:s5] =	ssyncadd.s32 $0xFFFFFF80  }
0x1e: {  	v3 =	vld [tilespmem:$0x0];
	_ =	sdelay $0x4  }
0x1f: {  	v4 =	vshll.u32 v3, $0x1  }
0x20: {  	v3 =	vand.u32 $0x7, v3;
	v4 =	vand.u32 $0xFFFFFFF0, v4  }
0x21: {  	v3 =	vor.u32 v3, v4  }
0x22: {  	v4 =	vperm.xlane v3, v0;
	_ =	sdelay $0x1  }
0x23: {  	v3 =	vperm.xlane v3, v2;
	v4 =	vadd.s32 v1, v4;
	_ =	sdelay $0x1  }
0x24: {  	v3 =	vadd.s32 v1, v3;
	_ =	sdelay $0x1  }
0x25: {  	s0 =	simm.s32 $0x80  }
0x26: {  	[tilespmem:s0], [sflag:$0x1] =	stream.indirect_vreg.gather [hbm4b:s1+s3], $0x80, v4, vm0, $0xb8;
	[tilespmem:$0x10100] =	vst v63  }
0x27: {  	_ = 	snop  }
0x28: {  	[tilespmem:s16], [sflag:$0x1] =	stream.indirect_vreg.gather [hbm4b:s1+s3], $0x80, v3, vm0, $0xb8;
	[tilespmem:$0x10100] =	vst v63  }
0x29: {  	v3 =	vld [tilespmem:$0x10];
	_ =	sdelay $0x4  }
0x2a: {  	v33 =	vshll.u32 v3, $0x1  }
0x2b: {  	v3 =	vand.u32 $0x7, v3;
	v4 =	vand.u32 $0xFFFFFFF0, v33  }
0x2c: {  	v3 =	vor.u32 v3, v4  }
0x2d: {  	v4 =	vperm.xlane v3, v0;
	_ =	sdelay $0x1  }
0x2e: {  	v3 =	vperm.xlane v3, v2;
	v4 =	vadd.s32 v1, v4;
	_ =	sdelay $0x1  }
0x2f: {  	v3 =	vadd.s32 v1, v3;
	_ =	sdelay $0x2  }
0x30: {  	[tilespmem:s17], [sflag:$0x1] =	stream.indirect_vreg.gather [hbm4b:s1+s3], $0x80, v4, vm0, $0xb8;
	[tilespmem:$0x10100] =	vst v63  }
0x31: {  	_ = 	snop  }
0x32: {  	[tilespmem:s18], [sflag:$0x1] =	stream.indirect_vreg.gather [hbm4b:s1+s3], $0x80, v3, vm0, $0xb8;
	[tilespmem:$0x10100] =	vst v63  }
0x33: {  	v3 =	vld [tilespmem:$0x20];
	_ =	sdelay $0x4  }
0x34: {  	v34 =	vshll.u32 v3, $0x1  }
0x35: {  	v3 =	vand.u32 $0x7, v3;
	v4 =	vand.u32 $0xFFFFFFF0, v34  }
0x36: {  	v3 =	vor.u32 v3, v4  }
0x37: {  	v4 =	vperm.xlane v3, v0;
	_ =	sdelay $0x1  }
0x38: {  	v3 =	vperm.xlane v3, v2;
	v4 =	vadd.s32 v1, v4;
	_ =	sdelay $0x1  }
0x39: {  	v3 =	vadd.s32 v1, v3;
	_ =	sdelay $0x2  }
0x3a: {  	[tilespmem:s19], [sflag:$0x1] =	stream.indirect_vreg.gather [hbm4b:s1+s3], $0x80, v4, vm0, $0xb8;
	[tilespmem:$0x10100] =	vst v63  }
0x3b: {  	_ = 	snop  }
0x3c: {  	[tilespmem:s20], [sflag:$0x1] =	stream.indirect_vreg.gather [hbm4b:s1+s3], $0x80, v3, vm0, $0xb8;
	[tilespmem:$0x10100] =	vst v63  }
0x3d: {  	v3 =	vld [tilespmem:$0x30];
	_ =	sdelay $0x4  }
0x3e: {  	v35 =	vshll.u32 v3, $0x1  }
0x3f: {  	v3 =	vand.u32 $0x7, v3;
	v4 =	vand.u32 $0xFFFFFFF0, v35  }
0x40: {  	v3 =	vor.u32 v3, v4  }
0x41: {  	v4 =	vperm.xlane v3, v0;
	_ =	sdelay $0x1  }
0x42: {  	v3 =	vperm.xlane v3, v2;
	v4 =	vadd.s32 v1, v4;
	_ =	sdelay $0x1  }
0x43: {  	v3 =	vadd.s32 v1, v3;
	_ =	sdelay $0x2  }
0x44: {  	[tilespmem:s21], [sflag:$0x1] =	stream.indirect_vreg.gather [hbm4b:s1+s3], $0x80, v4, vm0, $0xb8;
	[tilespmem:$0x10100] =	vst v63  }
0x45: {  	_ = 	snop  }
0x46: {  	[tilespmem:s23], [sflag:$0x1] =	stream.indirect_vreg.gather [hbm4b:s1+s3], $0x80, v3, vm0, $0xb8;
	[tilespmem:$0x10100] =	vst v63  }
0x47: {  	v3 =	vld [tilespmem:$0x40];
	_ =	sdelay $0x4  }
0x48: {  	v36 =	vshll.u32 v3, $0x1  }
0x49: {  	v3 =	vand.u32 $0x7, v3;
	v4 =	vand.u32 $0xFFFFFFF0, v36  }
0x4a: {  	v3 =	vor.u32 v3, v4  }
0x4b: {  	v4 =	vperm.xlane v3, v0;
	_ =	sdelay $0x1  }
0x4c: {  	v3 =	vperm.xlane v3, v2;
	v4 =	vadd.s32 v1, v4;
	_ =	sdelay $0x1  }
0x4d: {  	v3 =	vadd.s32 v1, v3;
	_ =	sdelay $0x2  }
0x4e: {  	[tilespmem:s25], [sflag:$0x1] =	stream.indirect_vreg.gather [hbm4b:s1+s3], $0x80, v4, vm0, $0xb8;
	[tilespmem:$0x10100] =	vst v63  }
0x4f: {  	_ = 	snop  }
0x50: {  	[tilespmem:s26], [sflag:$0x1] =	stream.indirect_vreg.gather [hbm4b:s1+s3], $0x80, v3, vm0, $0xb8;
	[tilespmem:$0x10100] =	vst v63  }
0x51: {  	v3 =	vld [tilespmem:$0x50];
	_ =	sdelay $0x4  }
0x52: {  	v37 =	vshll.u32 v3, $0x1  }
0x53: {  	v3 =	vand.u32 $0x7, v3;
	v4 =	vand.u32 $0xFFFFFFF0, v37  }
0x54: {  	v3 =	vor.u32 v3, v4  }
0x55: {  	v4 =	vperm.xlane v3, v0;
	_ =	sdelay $0x1  }
0x56: {  	v3 =	vperm.xlane v3, v2;
	v4 =	vadd.s32 v1, v4;
	_ =	sdelay $0x1  }
0x57: {  	v3 =	vadd.s32 v1, v3;
	_ =	sdelay $0x2  }
0x58: {  	[tilespmem:s28], [sflag:$0x1] =	stream.indirect_vreg.gather [hbm4b:s1+s3], $0x80, v4, vm0, $0xb8;
	[tilespmem:$0x10100] =	vst v63  }
0x59: {  	_ = 	snop  }
0x5a: {  	[tilespmem:s29], [sflag:$0x1] =	stream.indirect_vreg.gather [hbm4b:s1+s3], $0x80, v3, vm0, $0xb8;
	[tilespmem:$0x10100] =	vst v63  }
0x5b: {  	v3 =	vld [tilespmem:$0x60];
	_ =	sdelay $0x4  }
0x5c: {  	v38 =	vshll.u32 v3, $0x1  }
0x5d: {  	v3 =	vand.u32 $0x7, v3;
	v4 =	vand.u32 $0xFFFFFFF0, v38  }
0x5e: {  	v3 =	vor.u32 v3, v4  }
0x5f: {  	v4 =	vperm.xlane v3, v0;
	_ =	sdelay $0x1  }
0x60: {  	v3 =	vperm.xlane v3, v2;
	v4 =	vadd.s32 v1, v4;
	_ =	sdelay $0x1  }
0x61: {  	v3 =	vadd.s32 v1, v3;
	_ =	sdelay $0x2  }
0x62: {  	[tilespmem:s30], [sflag:$0x1] =	stream.indirect_vreg.gather [hbm4b:s1+s3], $0x80, v4, vm0, $0xb8;
	[tilespmem:$0x10100] =	vst v63  }
0x63: {  	_ = 	snop  }
0x64: {  	[tilespmem:s31], [sflag:$0x1] =	stream.indirect_vreg.gather [hbm4b:s1+s3], $0x80, v3, vm0, $0xb8;
	[tilespmem:$0x10100] =	vst v63  }
0x65: {  	v3 =	vld [tilespmem:$0x70];
	_ =	sdelay $0x4  }
0x66: {  	v39 =	vshll.u32 v3, $0x1  }
0x67: {  	v3 =	vand.u32 $0x7, v3;
	v4 =	vand.u32 $0xFFFFFFF0, v39  }
0x68: {  	v3 =	vor.u32 v3, v4  }
0x69: {  	v4 =	vperm.xlane v3, v0;
	_ =	sdelay $0x1  }
0x6a: {  	v3 =	vperm.xlane v3, v2;
	v4 =	vadd.s32 v1, v4;
	_ =	sdelay $0x1  }
0x6b: {  	v3 =	vadd.s32 v1, v3;
	_ =	sdelay $0x2  }
0x6c: {  	[tilespmem:s2], [sflag:$0x1] =	stream.indirect_vreg.gather [hbm4b:s1+s3], $0x80, v4, vm0, $0xb8;
	[tilespmem:$0x10100] =	vst v63  }
0x6d: {  	s0 =	simm.s32 $0x1  }
0x6e: {  	[tilespmem:s6], [sflag:$0x1] =	stream.indirect_vreg.gather [hbm4b:s1+s3], $0x80, v3, vm0, $0xb8;
	[tilespmem:$0x10100] =	vst v63  }
0x6f: {  	_ =	swait.ge [sflag:s0], $0x8000  }
0x70: {  	[sflag:s0] =	ssyncset.done $0x0  }
0x71: {  	s8 =	simm.s32 $0x8080;
	s14 =	rddreg [dreg:$0x4];
	[sflag:s0] =	ssyncadd.s32 $0xFFFF8000  }
0x72: {  	[tilespmem:s8], [sflag:$0x3] =	stream.linear.gather [hbm4b:s14+s3], $0x80, $0x38;
	[tilespmem:$0x10100] =	vst v63  }
0x73: {  	_ =	swait.ge [sflag:s5], $0x80  }
0x74: {  	[sflag:s5] =	ssyncset.done $0x0  }
0x75: {  	[sflag:s5] =	ssyncadd.s32 $0xFFFFFF80  }
0x76: {  	v3 =	vld [tilespmem:$0x8080];
	_ =	sdelay $0x4  }
0x77: {  	v40 =	vshll.u32 v3, $0x1  }
0x78: {  	v3 =	vand.u32 $0x7, v3;
	v4 =	vand.u32 $0xFFFFFFF0, v40  }
0x79: {  	v3 =	vor.u32 v3, v4  }
0x7a: {  	v4 =	vperm.xlane v3, v0;
	_ =	sdelay $0x1  }
0x7b: {  	v3 =	vperm.xlane v3, v2;
	v4 =	vadd.s32 v1, v4;
	_ =	sdelay $0x1  }
0x7c: {  	v3 =	vadd.s32 v1, v3;
	_ =	sdelay $0x2  }
0x7d: {  	[tilespmem:s22], [sflag:$0x2] =	stream.indirect_vreg.gather [hbm4b:s1+s3], $0x80, v4, vm0, $0xb8;
	[tilespmem:$0x10100] =	vst v63  }
0x7e: {  	s8 =	simm.s32 $0x8900  }
0x7f: {  	[tilespmem:s8], [sflag:$0x2] =	stream.indirect_vreg.gather [hbm4b:s1+s3], $0x80, v3, vm0, $0xb8;
	[tilespmem:$0x10100] =	vst v63  }
0x80: {  	v3 =	vld [tilespmem:$0x8090];
	_ =	sdelay $0x4  }
0x81: {  	v41 =	vshll.u32 v3, $0x1  }
0x82: {  	v3 =	vand.u32 $0x7, v3;
	v4 =	vand.u32 $0xFFFFFFF0, v41  }
0x83: {  	v3 =	vor.u32 v3, v4  }
0x84: {  	v4 =	vperm.xlane v3, v0;
	_ =	sdelay $0x1  }
0x85: {  	v3 =	vperm.xlane v3, v2;
	v4 =	vadd.s32 v1, v4;
	_ =	sdelay $0x1  }
0x86: {  	v3 =	vadd.s32 v1, v3;
	_ =	sdelay $0x2  }
0x87: {  	[tilespmem:s9], [sflag:$0x2] =	stream.indirect_vreg.gather [hbm4b:s1+s3], $0x80, v4, vm0, $0xb8;
	[tilespmem:$0x10100] =	vst v63  }
0x88: {  	_ = 	snop  }
0x89: {  	[tilespmem:s10], [sflag:$0x2] =	stream.indirect_vreg.gather [hbm4b:s1+s3], $0x80, v3, vm0, $0xb8;
	[tilespmem:$0x10100] =	vst v63  }
0x8a: {  	v3 =	vld [tilespmem:$0x80A0];
	_ =	sdelay $0x4  }
0x8b: {  	v42 =	vshll.u32 v3, $0x1  }
0x8c: {  	v3 =	vand.u32 $0x7, v3;
	v4 =	vand.u32 $0xFFFFFFF0, v42  }
0x8d: {  	v3 =	vor.u32 v3, v4  }
0x8e: {  	v4 =	vperm.xlane v3, v0;
	_ =	sdelay $0x1  }
0x8f: {  	v3 =	vperm.xlane v3, v2;
	v4 =	vadd.s32 v1, v4;
	_ =	sdelay $0x1  }
0x90: {  	v3 =	vadd.s32 v1, v3;
	_ =	sdelay $0x2  }
0x91: {  	[tilespmem:s11], [sflag:$0x2] =	stream.indirect_vreg.gather [hbm4b:s1+s3], $0x80, v4, vm0, $0xb8;
	[tilespmem:$0x10100] =	vst v63  }
0x92: {  	_ = 	snop  }
0x93: {  	[tilespmem:s12], [sflag:$0x2] =	stream.indirect_vreg.gather [hbm4b:s1+s3], $0x80, v3, vm0, $0xb8;
	[tilespmem:$0x10100] =	vst v63  }
0x94: {  	v3 =	vld [tilespmem:$0x80B0];
	_ =	sdelay $0x4  }
0x95: {  	v43 =	vshll.u32 v3, $0x1  }
0x96: {  	v3 =	vand.u32 $0x7, v3;
	v4 =	vand.u32 $0xFFFFFFF0, v43  }
0x97: {  	v3 =	vor.u32 v3, v4  }
0x98: {  	v4 =	vperm.xlane v3, v0;
	_ =	sdelay $0x1  }
0x99: {  	v3 =	vperm.xlane v3, v2;
	v4 =	vadd.s32 v1, v4;
	_ =	sdelay $0x1  }
0x9a: {  	v3 =	vadd.s32 v1, v3;
	_ =	sdelay $0x2  }
0x9b: {  	[tilespmem:s13], [sflag:$0x2] =	stream.indirect_vreg.gather [hbm4b:s1+s3], $0x80, v4, vm0, $0xb8;
	[tilespmem:$0x10100] =	vst v63  }
0x9c: {  	s14 =	simm.s32 $0xB900  }
0x9d: {  	[tilespmem:s14], [sflag:$0x2] =	stream.indirect_vreg.gather [hbm4b:s1+s3], $0x80, v3, vm0, $0xb8;
	[tilespmem:$0x10100] =	vst v63  }
0x9e: {  	v3 =	vld [tilespmem:$0x80C0];
	_ =	sdelay $0x4  }
0x9f: {  	v44 =	vshll.u32 v3, $0x1  }
0xa0: {  	v3 =	vand.u32 $0x7, v3;
	v4 =	vand.u32 $0xFFFFFFF0, v44  }
0xa1: {  	v3 =	vor.u32 v3, v4  }
0xa2: {  	v4 =	vperm.xlane v3, v0;
	_ =	sdelay $0x1  }
0xa3: {  	v3 =	vperm.xlane v3, v2;
	v4 =	vadd.s32 v1, v4;
	_ =	sdelay $0x1  }
0xa4: {  	v3 =	vadd.s32 v1, v3;
	_ =	sdelay $0x2  }
0xa5: {  	[tilespmem:s24], [sflag:$0x2] =	stream.indirect_vreg.gather [hbm4b:s1+s3], $0x80, v4, vm0, $0xb8;
	[tilespmem:$0x10100] =	vst v63  }
0xa6: {  	s15 =	simm.s32 $0xC900  }
0xa7: {  	[tilespmem:s15], [sflag:$0x2] =	stream.indirect_vreg.gather [hbm4b:s1+s3], $0x80, v3, vm0, $0xb8;
	[tilespmem:$0x10100] =	vst v63  }
0xa8: {  	v3 =	vld [tilespmem:$0x80D0];
	_ =	sdelay $0x4  }
0xa9: {  	v45 =	vshll.u32 v3, $0x1  }
0xaa: {  	v3 =	vand.u32 $0x7, v3;
	v4 =	vand.u32 $0xFFFFFFF0, v45  }
0xab: {  	v3 =	vor.u32 v3, v4  }
0xac: {  	v4 =	vperm.xlane v3, v0;
	_ =	sdelay $0x1  }
0xad: {  	v3 =	vperm.xlane v3, v2;
	v4 =	vadd.s32 v1, v4;
	_ =	sdelay $0x1  }
0xae: {  	v3 =	vadd.s32 v1, v3;
	_ =	sdelay $0x1  }
0xaf: {  	s15 =	simm.s32 $0xD100  }
0xb0: {  	[tilespmem:s15], [sflag:$0x2] =	stream.indirect_vreg.gather [hbm4b:s1+s3], $0x80, v4, vm0, $0xb8;
	[tilespmem:$0x10100] =	vst v63  }
0xb1: {  	s15 =	simm.s32 $0xD900  }
0xb2: {  	[tilespmem:s15], [sflag:$0x2] =	stream.indirect_vreg.gather [hbm4b:s1+s3], $0x80, v3, vm0, $0xb8;
	[tilespmem:$0x10100] =	vst v63  }
0xb3: {  	v3 =	vld [tilespmem:$0x80E0];
	_ =	sdelay $0x4  }
0xb4: {  	v46 =	vshll.u32 v3, $0x1  }
0xb5: {  	v3 =	vand.u32 $0x7, v3;
	v4 =	vand.u32 $0xFFFFFFF0, v46  }
0xb6: {  	v3 =	vor.u32 v3, v4  }
0xb7: {  	v4 =	vperm.xlane v3, v0;
	_ =	sdelay $0x1  }
0xb8: {  	v3 =	vperm.xlane v3, v2;
	v4 =	vadd.s32 v1, v4;
	_ =	sdelay $0x1  }
0xb9: {  	v3 =	vadd.s32 v1, v3;
	_ =	sdelay $0x1  }
0xba: {  	s15 =	simm.s32 $0xE100  }
0xbb: {  	[tilespmem:s15], [sflag:$0x2] =	stream.indirect_vreg.gather [hbm4b:s1+s3], $0x80, v4, vm0, $0xb8;
	[tilespmem:$0x10100] =	vst v63  }
0xbc: {  	s15 =	simm.s32 $0xE900  }
0xbd: {  	[tilespmem:s15], [sflag:$0x2] =	stream.indirect_vreg.gather [hbm4b:s1+s3], $0x80, v3, vm0, $0xb8;
	[tilespmem:$0x10100] =	vst v63  }
0xbe: {  	v3 =	vld [tilespmem:$0x80F0];
	_ =	sdelay $0x4  }
0xbf: {  	v47 =	vshll.u32 v3, $0x1  }
0xc0: {  	v3 =	vand.u32 $0x7, v3;
	v4 =	vand.u32 $0xFFFFFFF0, v47  }
0xc1: {  	v3 =	vor.u32 v3, v4  }
0xc2: {  	v4 =	vperm.xlane v3, v0;
	_ =	sdelay $0x1  }
0xc3: {  	v3 =	vperm.xlane v3, v2;
	v4 =	vadd.s32 v1, v4;
	_ =	sdelay $0x1  }
0xc4: {  	v3 =	vadd.s32 v1, v3;
	_ =	sdelay $0x1  }
0xc5: {  	s15 =	simm.s32 $0xF100  }
0xc6: {  	[tilespmem:s15], [sflag:$0x2] =	stream.indirect_vreg.gather [hbm4b:s1+s3], $0x80, v4, vm0, $0xb8;
	[tilespmem:$0x10100] =	vst v63  }
0xc7: {  	s14 =	simm.s32 $0xF900  }
0xc8: {  	[tilespmem:s14], [sflag:$0x2] =	stream.indirect_vreg.gather [hbm4b:s1+s3], $0x80, v3, vm0, $0xb8;
	[tilespmem:$0x10100] =	vst v63  }
0xc9: {  	s15 =	rddreg [dreg:$0x5];
	s14 =	simm.s32 $0x80  }
0xca: {  	[hbm4b:s15+s3] =	stream.linear.scatter [tilespmem:s14], [sflag:$0x3], $0x8000, $0x38;
	[tilespmem:$0x10100] =	vst v63  }
0xcb: {  	_ =	swait.ge [sflag:s5], $0x8000  }
0xcc: {  	[sflag:s5] =	ssyncset.done $0x0  }
0xcd: {  	[sflag:s5] =	ssyncadd.s32 $0xFFFF8000  }
0xce: {  	_ =	swait.ge [sflag:s7], $0x8000  }
0xcf: {  	[sflag:s7] =	ssyncset.done $0x0  }
0xd0: {  	s15 =	rddreg [dreg:$0x6];
	[sflag:s7] =	ssyncadd.s32 $0xFFFF8000  }
0xd1: {  	[tilespmem:s3], [sflag:$0x3] =	stream.linear.gather [hbm4b:s15+s3], $0x80, $0x38;
	[tilespmem:$0x10100] =	vst v63  }
0xd2: {  	_ =	swait.ge [sflag:s5], $0x80  }
0xd3: {  	[sflag:s5] =	ssyncset.done $0x0  }
0xd4: {  	[sflag:s5] =	ssyncadd.s32 $0xFFFFFF80  }
0xd5: {  	v3 =	vld [tilespmem:$0x0];
	_ =	sdelay $0x4  }
0xd6: {  	v48 =	vshll.u32 v3, $0x1  }
0xd7: {  	v3 =	vand.u32 $0x7, v3;
	v4 =	vand.u32 $0xFFFFFFF0, v48  }
0xd8: {  	v3 =	vor.u32 v3, v4  }
0xd9: {  	v4 =	vperm.xlane v3, v0;
	_ =	sdelay $0x1  }
0xda: {  	v3 =	vperm.xlane v3, v2;
	v4 =	vadd.s32 v1, v4;
	_ =	sdelay $0x1  }
0xdb: {  	v3 =	vadd.s32 v1, v3;
	_ =	sdelay $0x2  }
0xdc: {  	[tilespmem:s14], [sflag:$0x1] =	stream.indirect_vreg.gather [hbm4b:s1+s3], $0x80, v4, vm0, $0xb8;
	[tilespmem:$0x10100] =	vst v63  }
0xdd: {  	_ = 	snop  }
0xde: {  	[tilespmem:s16], [sflag:$0x1] =	stream.indirect_vreg.gather [hbm4b:s1+s3], $0x80, v3, vm0, $0xb8;
	[tilespmem:$0x10100] =	vst v63  }
0xdf: {  	v3 =	vld [tilespmem:$0x10];
	_ =	sdelay $0x4  }
0xe0: {  	v49 =	vshll.u32 v3, $0x1  }
0xe1: {  	v3 =	vand.u32 $0x7, v3;
	v4 =	vand.u32 $0xFFFFFFF0, v49  }
0xe2: {  	v3 =	vor.u32 v3, v4  }
0xe3: {  	v4 =	vperm.xlane v3, v0;
	_ =	sdelay $0x1  }
0xe4: {  	v3 =	vperm.xlane v3, v2;
	v4 =	vadd.s32 v1, v4;
	_ =	sdelay $0x1  }
0xe5: {  	v3 =	vadd.s32 v1, v3;
	_ =	sdelay $0x2  }
0xe6: {  	[tilespmem:s17], [sflag:$0x1] =	stream.indirect_vreg.gather [hbm4b:s1+s3], $0x80, v4, vm0, $0xb8;
	[tilespmem:$0x10100] =	vst v63  }
0xe7: {  	_ = 	snop  }
0xe8: {  	[tilespmem:s18], [sflag:$0x1] =	stream.indirect_vreg.gather [hbm4b:s1+s3], $0x80, v3, vm0, $0xb8;
	[tilespmem:$0x10100] =	vst v63  }
0xe9: {  	v3 =	vld [tilespmem:$0x20];
	_ =	sdelay $0x4  }
0xea: {  	v50 =	vshll.u32 v3, $0x1  }
0xeb: {  	v3 =	vand.u32 $0x7, v3;
	v4 =	vand.u32 $0xFFFFFFF0, v50  }
0xec: {  	v3 =	vor.u32 v3, v4  }
0xed: {  	v4 =	vperm.xlane v3, v0;
	_ =	sdelay $0x1  }
0xee: {  	v3 =	vperm.xlane v3, v2;
	v4 =	vadd.s32 v1, v4;
	_ =	sdelay $0x1  }
0xef: {  	v3 =	vadd.s32 v1, v3;
	_ =	sdelay $0x2  }
0xf0: {  	[tilespmem:s19], [sflag:$0x1] =	stream.indirect_vreg.gather [hbm4b:s1+s3], $0x80, v4, vm0, $0xb8;
	[tilespmem:$0x10100] =	vst v63  }
0xf1: {  	_ = 	snop  }
0xf2: {  	[tilespmem:s20], [sflag:$0x1] =	stream.indirect_vreg.gather [hbm4b:s1+s3], $0x80, v3, vm0, $0xb8;
	[tilespmem:$0x10100] =	vst v63  }
0xf3: {  	v3 =	vld [tilespmem:$0x30];
	_ =	sdelay $0x4  }
0xf4: {  	v51 =	vshll.u32 v3, $0x1  }
0xf5: {  	v3 =	vand.u32 $0x7, v3;
	v4 =	vand.u32 $0xFFFFFFF0, v51  }
0xf6: {  	v3 =	vor.u32 v3, v4  }
0xf7: {  	v4 =	vperm.xlane v3, v0;
	_ =	sdelay $0x1  }
0xf8: {  	v3 =	vperm.xlane v3, v2;
	v4 =	vadd.s32 v1, v4;
	_ =	sdelay $0x1  }
0xf9: {  	v3 =	vadd.s32 v1, v3;
	_ =	sdelay $0x2  }
0xfa: {  	[tilespmem:s21], [sflag:$0x1] =	stream.indirect_vreg.gather [hbm4b:s1+s3], $0x80, v4, vm0, $0xb8;
	[tilespmem:$0x10100] =	vst v63  }
0xfb: {  	_ = 	snop  }
0xfc: {  	[tilespmem:s23], [sflag:$0x1] =	stream.indirect_vreg.gather [hbm4b:s1+s3], $0x80, v3, vm0, $0xb8;
	[tilespmem:$0x10100] =	vst v63  }
0xfd: {  	v3 =	vld [tilespmem:$0x40];
	_ =	sdelay $0x4  }
0xfe: {  	v52 =	vshll.u32 v3, $0x1  }
0xff: {  	v3 =	vand.u32 $0x7, v3;
	v4 =	vand.u32 $0xFFFFFFF0, v52  }
0x100: {  	v3 =	vor.u32 v3, v4  }
0x101: {  	v4 =	vperm.xlane v3, v0;
	_ =	sdelay $0x1  }
0x102: {  	v3 =	vperm.xlane v3, v2;
	v4 =	vadd.s32 v1, v4;
	_ =	sdelay $0x1  }
0x103: {  	v3 =	vadd.s32 v1, v3;
	_ =	sdelay $0x2  }
0x104: {  	[tilespmem:s25], [sflag:$0x1] =	stream.indirect_vreg.gather [hbm4b:s1+s3], $0x80, v4, vm0, $0xb8;
	[tilespmem:$0x10100] =	vst v63  }
0x105: {  	_ = 	snop  }
0x106: {  	[tilespmem:s26], [sflag:$0x1] =	stream.indirect_vreg.gather [hbm4b:s1+s3], $0x80, v3, vm0, $0xb8;
	[tilespmem:$0x10100] =	vst v63  }
0x107: {  	v3 =	vld [tilespmem:$0x50];
	_ =	sdelay $0x4  }
0x108: {  	v53 =	vshll.u32 v3, $0x1  }
0x109: {  	v3 =	vand.u32 $0x7, v3;
	v4 =	vand.u32 $0xFFFFFFF0, v53  }
0x10a: {  	v3 =	vor.u32 v3, v4  }
0x10b: {  	v4 =	vperm.xlane v3, v0;
	_ =	sdelay $0x1  }
0x10c: {  	v3 =	vperm.xlane v3, v2;
	v4 =	vadd.s32 v1, v4;
	_ =	sdelay $0x1  }
0x10d: {  	v3 =	vadd.s32 v1, v3;
	_ =	sdelay $0x2  }
0x10e: {  	[tilespmem:s28], [sflag:$0x1] =	stream.indirect_vreg.gather [hbm4b:s1+s3], $0x80, v4, vm0, $0xb8;
	[tilespmem:$0x10100] =	vst v63  }
0x10f: {  	_ = 	snop  }
0x110: {  	[tilespmem:s29], [sflag:$0x1] =	stream.indirect_vreg.gather [hbm4b:s1+s3], $0x80, v3, vm0, $0xb8;
	[tilespmem:$0x10100] =	vst v63  }
0x111: {  	v3 =	vld [tilespmem:$0x60];
	_ =	sdelay $0x4  }
0x112: {  	v54 =	vshll.u32 v3, $0x1  }
0x113: {  	v3 =	vand.u32 $0x7, v3;
	v4 =	vand.u32 $0xFFFFFFF0, v54  }
0x114: {  	v3 =	vor.u32 v3, v4  }
0x115: {  	v4 =	vperm.xlane v3, v0;
	_ =	sdelay $0x1  }
0x116: {  	v3 =	vperm.xlane v3, v2;
	v4 =	vadd.s32 v1, v4;
	_ =	sdelay $0x1  }
0x117: {  	v3 =	vadd.s32 v1, v3;
	_ =	sdelay $0x2  }
0x118: {  	[tilespmem:s30], [sflag:$0x1] =	stream.indirect_vreg.gather [hbm4b:s1+s3], $0x80, v4, vm0, $0xb8;
	[tilespmem:$0x10100] =	vst v63  }
0x119: {  	_ = 	snop  }
0x11a: {  	[tilespmem:s31], [sflag:$0x1] =	stream.indirect_vreg.gather [hbm4b:s1+s3], $0x80, v3, vm0, $0xb8;
	[tilespmem:$0x10100] =	vst v63  }
0x11b: {  	v3 =	vld [tilespmem:$0x70];
	_ =	sdelay $0x4  }
0x11c: {  	v55 =	vshll.u32 v3, $0x1  }
0x11d: {  	v3 =	vand.u32 $0x7, v3;
	v4 =	vand.u32 $0xFFFFFFF0, v55  }
0x11e: {  	v3 =	vor.u32 v3, v4  }
0x11f: {  	v4 =	vperm.xlane v3, v0;
	_ =	sdelay $0x1  }
0x120: {  	v3 =	vperm.xlane v3, v2;
	v4 =	vadd.s32 v1, v4;
	_ =	sdelay $0x1  }
0x121: {  	v3 =	vadd.s32 v1, v3;
	_ =	sdelay $0x2  }
0x122: {  	[tilespmem:s2], [sflag:$0x1] =	stream.indirect_vreg.gather [hbm4b:s1+s3], $0x80, v4, vm0, $0xb8;
	[tilespmem:$0x10100] =	vst v63  }
0x123: {  	_ = 	snop  }
0x124: {  	[tilespmem:s6], [sflag:$0x1] =	stream.indirect_vreg.gather [hbm4b:s1+s3], $0x80, v3, vm0, $0xb8;
	[tilespmem:$0x10100] =	vst v63  }
0x125: {  	s15 =	rddreg [dreg:$0x7]  }
0x126: {  	[hbm4b:s15+s3] =	stream.linear.scatter [tilespmem:s22], [sflag:$0x3], $0x8000, $0x38;
	[tilespmem:$0x10100] =	vst v63  }
0x127: {  	_ =	swait.ge [sflag:s5], $0x8000  }
0x128: {  	[sflag:s5] =	ssyncset.done $0x0  }
0x129: {  	[sflag:s5] =	ssyncadd.s32 $0xFFFF8000  }
0x12a: {  	_ =	swait.ge [sflag:s0], $0x8000  }
0x12b: {  	[sflag:s0] =	ssyncset.done $0x0  }
0x12c: {  	s15 =	rddreg [dreg:$0x8];
	[sflag:s0] =	ssyncadd.s32 $0xFFFF8000;
	s0 =	simm.s32 $0x8080  }
0x12d: {  	[tilespmem:s0], [sflag:$0x3] =	stream.linear.gather [hbm4b:s15+s3], $0x80, $0x38;
	[tilespmem:$0x10100] =	vst v63  }
0x12e: {  	_ =	swait.ge [sflag:s5], $0x80  }
0x12f: {  	[sflag:s5] =	ssyncset.done $0x0  }
0x130: {  	[sflag:s5] =	ssyncadd.s32 $0xFFFFFF80  }
0x131: {  	v3 =	vld [tilespmem:$0x8080];
	_ =	sdelay $0x4  }
0x132: {  	v56 =	vshll.u32 v3, $0x1  }
0x133: {  	v3 =	vand.u32 $0x7, v3;
	v4 =	vand.u32 $0xFFFFFFF0, v56  }
0x134: {  	v3 =	vor.u32 v3, v4  }
0x135: {  	v4 =	vperm.xlane v3, v0;
	_ =	sdelay $0x1  }
0x136: {  	v3 =	vperm.xlane v3, v2;
	v4 =	vadd.s32 v1, v4;
	_ =	sdelay $0x1  }
0x137: {  	v3 =	vadd.s32 v1, v3;
	_ =	sdelay $0x2  }
0x138: {  	[tilespmem:s22], [sflag:$0x2] =	stream.indirect_vreg.gather [hbm4b:s1+s3], $0x80, v4, vm0, $0xb8;
	[tilespmem:$0x10100] =	vst v63  }
0x139: {  	_ = 	snop  }
0x13a: {  	[tilespmem:s8], [sflag:$0x2] =	stream.indirect_vreg.gather [hbm4b:s1+s3], $0x80, v3, vm0, $0xb8;
	[tilespmem:$0x10100] =	vst v63  }
0x13b: {  	v3 =	vld [tilespmem:$0x8090];
	_ =	sdelay $0x4  }
0x13c: {  	v57 =	vshll.u32 v3, $0x1  }
0x13d: {  	v3 =	vand.u32 $0x7, v3;
	v4 =	vand.u32 $0xFFFFFFF0, v57  }
0x13e: {  	v3 =	vor.u32 v3, v4  }
0x13f: {  	v4 =	vperm.xlane v3, v0;
	_ =	sdelay $0x1  }
0x140: {  	v3 =	vperm.xlane v3, v2;
	v4 =	vadd.s32 v1, v4;
	_ =	sdelay $0x1  }
0x141: {  	v3 =	vadd.s32 v1, v3;
	_ =	sdelay $0x2  }
0x142: {  	[tilespmem:s9], [sflag:$0x2] =	stream.indirect_vreg.gather [hbm4b:s1+s3], $0x80, v4, vm0, $0xb8;
	[tilespmem:$0x10100] =	vst v63  }
0x143: {  	_ = 	snop  }
0x144: {  	[tilespmem:s10], [sflag:$0x2] =	stream.indirect_vreg.gather [hbm4b:s1+s3], $0x80, v3, vm0, $0xb8;
	[tilespmem:$0x10100] =	vst v63  }
0x145: {  	v3 =	vld [tilespmem:$0x80A0];
	_ =	sdelay $0x4  }
0x146: {  	v58 =	vshll.u32 v3, $0x1  }
0x147: {  	v3 =	vand.u32 $0x7, v3;
	v4 =	vand.u32 $0xFFFFFFF0, v58  }
0x148: {  	v3 =	vor.u32 v3, v4  }
0x149: {  	v4 =	vperm.xlane v3, v0;
	_ =	sdelay $0x1  }
0x14a: {  	v3 =	vperm.xlane v3, v2;
	v4 =	vadd.s32 v1, v4;
	_ =	sdelay $0x1  }
0x14b: {  	v3 =	vadd.s32 v1, v3;
	_ =	sdelay $0x2  }
0x14c: {  	[tilespmem:s11], [sflag:$0x2] =	stream.indirect_vreg.gather [hbm4b:s1+s3], $0x80, v4, vm0, $0xb8;
	[tilespmem:$0x10100] =	vst v63  }
0x14d: {  	_ = 	snop  }
0x14e: {  	[tilespmem:s12], [sflag:$0x2] =	stream.indirect_vreg.gather [hbm4b:s1+s3], $0x80, v3, vm0, $0xb8;
	[tilespmem:$0x10100] =	vst v63  }
0x14f: {  	v3 =	vld [tilespmem:$0x80B0];
	_ =	sdelay $0x4  }
0x150: {  	v59 =	vshll.u32 v3, $0x1  }
0x151: {  	v3 =	vand.u32 $0x7, v3;
	v4 =	vand.u32 $0xFFFFFFF0, v59  }
0x152: {  	v3 =	vor.u32 v3, v4  }
0x153: {  	v4 =	vperm.xlane v3, v0;
	_ =	sdelay $0x1  }
0x154: {  	v3 =	vperm.xlane v3, v2;
	v4 =	vadd.s32 v1, v4;
	_ =	sdelay $0x1  }
0x155: {  	v3 =	vadd.s32 v1, v3;
	_ =	sdelay $0x2  }
0x156: {  	[tilespmem:s13], [sflag:$0x2] =	stream.indirect_vreg.gather [hbm4b:s1+s3], $0x80, v4, vm0, $0xb8;
	[tilespmem:$0x10100] =	vst v63  }
0x157: {  	s15 =	simm.s32 $0xB900  }
0x158: {  	[tilespmem:s15], [sflag:$0x2] =	stream.indirect_vreg.gather [hbm4b:s1+s3], $0x80, v3, vm0, $0xb8;
	[tilespmem:$0x10100] =	vst v63  }
0x159: {  	v3 =	vld [tilespmem:$0x80C0];
	_ =	sdelay $0x4  }
0x15a: {  	v60 =	vshll.u32 v3, $0x1  }
0x15b: {  	v3 =	vand.u32 $0x7, v3;
	v4 =	vand.u32 $0xFFFFFFF0, v60  }
0x15c: {  	v3 =	vor.u32 v3, v4  }
0x15d: {  	v4 =	vperm.xlane v3, v0;
	_ =	sdelay $0x1  }
0x15e: {  	v3 =	vperm.xlane v3, v2;
	v4 =	vadd.s32 v1, v4;
	_ =	sdelay $0x1  }
0x15f: {  	v3 =	vadd.s32 v1, v3;
	_ =	sdelay $0x2  }
0x160: {  	[tilespmem:s24], [sflag:$0x2] =	stream.indirect_vreg.gather [hbm4b:s1+s3], $0x80, v4, vm0, $0xb8;
	[tilespmem:$0x10100] =	vst v63  }
0x161: {  	s8 =	simm.s32 $0xC900  }
0x162: {  	[tilespmem:s8], [sflag:$0x2] =	stream.indirect_vreg.gather [hbm4b:s1+s3], $0x80, v3, vm0, $0xb8;
	[tilespmem:$0x10100] =	vst v63  }
0x163: {  	v3 =	vld [tilespmem:$0x80D0];
	_ =	sdelay $0x4  }
0x164: {  	v61 =	vshll.u32 v3, $0x1  }
0x165: {  	v3 =	vand.u32 $0x7, v3;
	v4 =	vand.u32 $0xFFFFFFF0, v61  }
0x166: {  	v3 =	vor.u32 v3, v4  }
0x167: {  	v4 =	vperm.xlane v3, v0;
	_ =	sdelay $0x1  }
0x168: {  	v3 =	vperm.xlane v3, v2;
	v4 =	vadd.s32 v1, v4;
	_ =	sdelay $0x1  }
0x169: {  	v3 =	vadd.s32 v1, v3;
	_ =	sdelay $0x1  }
0x16a: {  	s15 =	simm.s32 $0xD100  }
0x16b: {  	[tilespmem:s15], [sflag:$0x2] =	stream.indirect_vreg.gather [hbm4b:s1+s3], $0x80, v4, vm0, $0xb8;
	[tilespmem:$0x10100] =	vst v63  }
0x16c: {  	s8 =	simm.s32 $0xD900  }
0x16d: {  	[tilespmem:s8], [sflag:$0x2] =	stream.indirect_vreg.gather [hbm4b:s1+s3], $0x80, v3, vm0, $0xb8;
	[tilespmem:$0x10100] =	vst v63  }
0x16e: {  	v3 =	vld [tilespmem:$0x80E0];
	_ =	sdelay $0x4  }
0x16f: {  	v62 =	vshll.u32 v3, $0x1  }
0x170: {  	v3 =	vand.u32 $0x7, v3;
	v4 =	vand.u32 $0xFFFFFFF0, v62  }
0x171: {  	v3 =	vor.u32 v3, v4  }
0x172: {  	v4 =	vperm.xlane v3, v0;
	_ =	sdelay $0x1  }
0x173: {  	v3 =	vperm.xlane v3, v2;
	v4 =	vadd.s32 v1, v4;
	_ =	sdelay $0x1  }
0x174: {  	v3 =	vadd.s32 v1, v3;
	_ =	sdelay $0x1  }
0x175: {  	s15 =	simm.s32 $0xE100  }
0x176: {  	[tilespmem:s15], [sflag:$0x2] =	stream.indirect_vreg.gather [hbm4b:s1+s3], $0x80, v4, vm0, $0xb8;
	[tilespmem:$0x10100] =	vst v63  }
0x177: {  	s8 =	simm.s32 $0xE900  }
0x178: {  	[tilespmem:s8], [sflag:$0x2] =	stream.indirect_vreg.gather [hbm4b:s1+s3], $0x80, v3, vm0, $0xb8;
	[tilespmem:$0x10100] =	vst v63  }
0x179: {  	v3 =	vld [tilespmem:$0x80F0];
	_ =	sdelay $0x4  }
0x17a: {  	v63 =	vshll.u32 v3, $0x1  }
0x17b: {  	v3 =	vand.u32 $0x7, v3;
	v4 =	vand.u32 $0xFFFFFFF0, v63  }
0x17c: {  	v3 =	vor.u32 v3, v4  }
0x17d: {  	v4 =	vperm.xlane v3, v0;
	_ =	sdelay $0x1  }
0x17e: {  	v3 =	vperm.xlane v3, v2;
	v4 =	vadd.s32 v1, v4;
	_ =	sdelay $0x1  }
0x17f: {  	v3 =	vadd.s32 v1, v3;
	_ =	sdelay $0x1  }
0x180: {  	s15 =	simm.s32 $0xF100  }
0x181: {  	[tilespmem:s15], [sflag:$0x2] =	stream.indirect_vreg.gather [hbm4b:s1+s3], $0x80, v4, vm0, $0xb8;
	[tilespmem:$0x10100] =	vst v63  }
0x182: {  	s8 =	simm.s32 $0xF900  }
0x183: {  	[tilespmem:s8], [sflag:$0x2] =	stream.indirect_vreg.gather [hbm4b:s1+s3], $0x80, v3, vm0, $0xb8;
	[tilespmem:$0x10100] =	vst v63  }
0x184: {  	s14 =	simm.s32 $0x80;
	s15 =	rddreg [dreg:$0x9]  }
0x185: {  	[hbm4b:s15+s3] =	stream.linear.scatter [tilespmem:s14], [sflag:$0x3], $0x8000, $0x38;
	[tilespmem:$0x10100] =	vst v63  }
0x186: {  	_ =	swait.ge [sflag:s5], $0x8000  }
0x187: {  	[sflag:s5] =	ssyncset.done $0x0  }
0x188: {  	[sflag:s5] =	ssyncadd.s32 $0xFFFF8000  }
0x189: {  	_ =	swait.ge [sflag:s7], $0x8000  }
0x18a: {  	p0 =	sne.s32 s4, $0x1;
	[sflag:s7] =	ssyncset.done $0x0  }
.Ltmp0:
0x18b: {  	s14 =	rddreg [dreg:$0xa];
	[sflag:s7] =	ssyncadd.s32 $0xFFFF8000;
	(pc) =	sbr.rel @p0 .LBB2_1-.Ltmp0, $4  }
0x18c: {  	[hbm4b:s14+s3] =	stream.linear.scatter [tilespmem:s22], [sflag:$0x3], $0x8000, $0x38;
	[tilespmem:$0x10100] =	vst v63  }
0x18d: {  	_ =	swait.ge [sflag:s5], $0x8000  }
0x18e: {  	[sflag:s5] =	ssyncset.done $0x0  }
0x18f: {  	s4 =	sadd.s32 $0xFFFFFFFF, s4;
	[sflag:s5] =	ssyncadd.s32 $0xFFFF8000  }
0x190: {  	_ =	sfence.sel $0x180000  }
0x191: {  	[bflag:$0x0] =	sbarrier.arrive $0xFFFF  }
0x192: {  	_ =	strace $0x90000047  }
0x193: {  	s0 =	stileid.u32;
	[bflag:$0x2] =	sbarrier.arrive $0xFFFF  }
0x194: {  	p0 =	sne.s32 s0, $0x0;
	s0 =	rddreg [dreg:$0x2]  }
0x195: {  	s0 =	sadd.s32 @!p0 $0x100000, s0  }
0x196: {  	[sflag:s0] =	ssyncadd.tile.s32 @!p0 $0x1;
	_ =	shalt  }
.Lfunc_end2:
_tile_overlayer_lowered:
.L_overlay_start_2:
0x197: {  	(tag) =	ssettag $0x2  }
0x198: {  	s0 =	rddreg [dreg:$0x0];
	s2 =	stileid.u32  }
0x199: {  	s1 =	rddreg [dreg:$0x1];
	p0 =	sne.s32 s2, $0x0  }
0x19a: {  	s3 =	rddreg [dreg:$0x2];
	[bflag:$0x3] =	sbarrier.arrive $0xFFFF;
	s2 =	simm.s32 @!p0 $0x1C03  }
0x19b: {  	[timem:s3], [sflag:s2] =	dma.local @!p0 [hbm:s0], s1  }
0x19c: {  	s0 =	simm.s32 @!p0 $0x3  }
0x19d: {  	_ =	swait.ge @!p0 [sflag:s0], s1  }
0x19e: {  	s1 =	ssub.s32 @!p0 $0x0, s1;
	[sflag:s0] =	ssyncset.done @!p0 $0x0  }
0x19f: {  	[sflag:s0] =	ssyncadd.s32 @!p0 s1  }
0x1a0: {  	[bflag:$0x3] =	sbarrier.arrive $0xFFFF  }
0x1a1: {  	_ =	shalt  }

</sc_bundles>
